<compile_context>
chip_gen: v7x
topology: tpu7x:2x2x1
jax: 0.10.2.dev20260603
libtpu: 0.0.44.dev20260713+nightly
codegen_flags: <defaults>
</compile_context>

<pallas_src>
import functools

import jax
import jax.numpy as jnp
from jax import lax
from jax.experimental import pallas as pl
from jax.experimental.pallas import tpu as pltpu
from jax.experimental.pallas import tpu_sc as plsc

N = 4096
B = 4
S = 2048
ROWS = B * S
NC = 2
NS = 16
NW = NC * NS
ROWS_PER_W = ROWS // NW
WPB = S // ROWS_PER_W
K = 4
CHUNKS = ROWS_PER_W // K
NBI = 4
NBO = 2
L = 16


def _sc_permute(x, perm):
    mesh = plsc.VectorSubcoreMesh(core_axis_name="c", subcore_axis_name="s")

    @functools.partial(
        pl.kernel,
        mesh=mesh,
        out_type=jax.ShapeDtypeStruct((B, S, N), jnp.float32),
        compiler_params=pltpu.CompilerParams(needs_layout_passes=False),
        scratch_types=[
            pltpu.VMEM((N,), jnp.int32),
            *[pltpu.VMEM((K, N), jnp.float32) for _ in range(NBI + NBO)],
            *[pltpu.SemaphoreType.DMA for _ in range(NBI + NBO)],
        ],
    )
    def k(x_hbm, perm_hbm, out_hbm, perm_v, *bufs_and_sems):
        ins = list(bufs_and_sems[:NBI])
        outs = list(bufs_and_sems[NBI : NBI + NBO])
        sis = list(bufs_and_sems[NBI + NBO : 2 * NBI + NBO])
        sos = list(bufs_and_sems[2 * NBI + NBO : 2 * NBI + 2 * NBO])

        wid = lax.axis_index("s") * NC + lax.axis_index("c")
        pltpu.sync_copy(perm_hbm, perm_v)
        batch = wid // WPB
        row0 = (wid % WPB) * ROWS_PER_W

        def start_in(b, c):
            pltpu.async_copy(
                x_hbm.at[batch, pl.ds(row0 + c * K, K)], ins[b], sis[b]
            )

        for b in range(NBI):
            start_in(b, b)

        def outer(g, _):
            for i in range(NBI):
                c = g * NBI + i
                bi = i
                bo = i % NBO
                pltpu.make_async_copy(
                    x_hbm.at[0, pl.ds(0, K)], ins[bi], sis[bi]
                ).wait()

                @pl.when(c >= NBO)
                def _():
                    pltpu.make_async_copy(
                        outs[bo], out_hbm.at[0, pl.ds(0, K)], sos[bo]
                    ).wait()

                in_b = ins[bi]
                out_b = outs[bo]

                @plsc.parallel_loop(0, N // L, unroll=8)
                def col_body(j):
                    idx = perm_v[pl.ds(j * L, L)]
                    for r in range(K):
                        rows = jnp.full((L,), r, dtype=jnp.int32)
                        out_b[r, pl.ds(j * L, L)] = plsc.load_gather(
                            in_b, [rows, idx]
                        )

                pltpu.async_copy(
                    outs[bo], out_hbm.at[batch, pl.ds(row0 + c * K, K)],
                    sos[bo],
                )

                @pl.when(c + NBI < CHUNKS)
                def _():
                    start_in(bi, c + NBI)

            return 0

        lax.fori_loop(0, CHUNKS // NBI, outer, 0)
        for b in range(NBO):
            pltpu.make_async_copy(
                outs[b], out_hbm.at[0, pl.ds(0, K)], sos[b]
            ).wait()

    return k(x, perm)


def kernel(input, permutation):
    perm = permutation.astype(jnp.int32)
    return _sc_permute(input, perm)

# --- scband reference (transcript-rebuilt; emitter-appended) ---
"""Pipeline reference for scband-fixed-permutation-4990751997976 (READ-ONLY COPY).

The authoritative reference and input builder live on the scoring server;
editing this copy changes nothing except your own understanding.
"""

import jax, jax.numpy as jnp
import numpy as np


def setup_inputs(seed: int = 0) -> dict:
    key = jax.random.key(seed)
    k1, k2 = jax.random.split(key)
    n = 4096
    x = jax.random.normal(k1, (4, 2048, n), dtype=jnp.float32)
    # A true random permutation of the last dimension (the module's buffer).
    permutation = jax.random.permutation(k2, jnp.arange(n, dtype=jnp.int64))
    return {"input": x, "permutation": permutation}


def reference(input, permutation):
    # FixedPermutation.forward: index_last_dim(input, permutation) == input[..., permutation]
    return jnp.take(input, permutation, axis=-1)

if __name__ == "__main__":
    import jax
    _d = setup_inputs()
    print(jax.jit(kernel)(*tuple(_d.values())))

</pallas_src>

<mosaic_0001>
#map = affine_map<(d0, d1) -> (0, 0, 0)>
#map1 = affine_map<(d0, d1) -> (0)>
module attributes {stable_mosaic.version = 14 : i64} {
  func.func @k(%arg0: i32, %arg1: i32, %arg2: memref<4x2048x4096xf32, #tpu.memory_space<hbm>>, %arg3: memref<4096xi32, #tpu.memory_space<hbm>>, %arg4: memref<4x2048x4096xf32, #tpu.memory_space<hbm>>, %arg5: memref<4096xi32, #tpu.memory_space<vmem>>, %arg6: memref<4x4096xf32, #tpu.memory_space<vmem>>, %arg7: memref<4x4096xf32, #tpu.memory_space<vmem>>, %arg8: memref<4x4096xf32, #tpu.memory_space<vmem>>, %arg9: memref<4x4096xf32, #tpu.memory_space<vmem>>, %arg10: memref<4x4096xf32, #tpu.memory_space<vmem>>, %arg11: memref<4x4096xf32, #tpu.memory_space<vmem>>, %arg12: memref<!tpu.dma_semaphore, #tpu.memory_space<semaphore_mem>>, %arg13: memref<!tpu.dma_semaphore, #tpu.memory_space<semaphore_mem>>, %arg14: memref<!tpu.dma_semaphore, #tpu.memory_space<semaphore_mem>>, %arg15: memref<!tpu.dma_semaphore, #tpu.memory_space<semaphore_mem>>, %arg16: memref<!tpu.dma_semaphore, #tpu.memory_space<semaphore_mem>>, %arg17: memref<!tpu.dma_semaphore, #tpu.memory_space<semaphore_mem>>) attributes {dimension_semantics = [#tpu.dimension_semantics<core_parallel>, #tpu.dimension_semantics<subcore_parallel>], iteration_bounds = array<i64: 2, 16>, scalar_prefetch = 0 : i64, scratch_operands = 13 : i64, tpu.core_type = #tpu.core_type<sc_vector_subcore>, window_params = [{transform_indices = #map}, {transform_indices = #map1}, {transform_indices = #map}]} {
    %mul3A = arith.constant 2 : i32
    %mul3A_0 = arith.muli %arg1, %mul3A : i32
    %add3A = arith.addi %mul3A_0, %arg0 : i32
    "tpu.region"() ({
      %run_scoped3A = tpu.sem_alloc : memref<!tpu.dma_semaphore, #tpu.memory_space<semaphore_mem>>
      tpu.enqueue_dma source(%arg3 : memref<4096xi32, #tpu.memory_space<hbm>>) target(%arg5 : memref<4096xi32, #tpu.memory_space<vmem>>) target_semaphore(%run_scoped3A : memref<!tpu.dma_semaphore, #tpu.memory_space<semaphore_mem>>)
      tpu.wait_dma2 semaphore(%run_scoped3A : memref<!tpu.dma_semaphore, #tpu.memory_space<semaphore_mem>>) src(%arg3 : memref<4096xi32, #tpu.memory_space<hbm>>) dst(%arg5 : memref<4096xi32, #tpu.memory_space<vmem>>)
      tpu.yield
    }) : () -> ()
    %jit3A = arith.constant 8 : i32
    %div3A = arith.divsi %add3A, %jit3A : i32
    %sign3A = arith.constant 0 : i32
    %sign3A_1 = arith.cmpi sgt, %add3A, %sign3A : i32
    %sign3A_2 = arith.extui %sign3A_1 : i1 to i32
    %sign3A_3 = arith.constant 0 : i32
    %sign3A_4 = arith.cmpi slt, %add3A, %sign3A_3 : i32
    %sign3A_5 = arith.extui %sign3A_4 : i1 to i32
    %sign3A_6 = arith.subi %sign3A_2, %sign3A_5 : i32
    %sign3A_7 = arith.constant 0 : i32
    %sign3A_8 = arith.cmpi sgt, %jit3A, %sign3A_7 : i32
    %sign3A_9 = arith.extui %sign3A_8 : i1 to i32
    %sign3A_10 = arith.constant 0 : i32
    %sign3A_11 = arith.cmpi slt, %jit3A, %sign3A_10 : i32
    %sign3A_12 = arith.extui %sign3A_11 : i1 to i32
    %sign3A_13 = arith.subi %sign3A_9, %sign3A_12 : i32
    %ne3A = arith.cmpi ne, %sign3A_6, %sign3A_13 : i32
    %rem3A = arith.remsi %add3A, %jit3A : i32
    %ne3A_14 = arith.constant 0 : i32
    %ne3A_15 = arith.cmpi ne, %rem3A, %ne3A_14 : i32
    %and3A = arith.andi %ne3A, %ne3A_15 : i1
    %sub3A = arith.constant 1 : i32
    %sub3A_16 = arith.subi %div3A, %sub3A : i32
    %select_n3A = arith.select %and3A, %sub3A_16, %div3A : i32
    %jit3A_17 = arith.constant 8 : i32
    %eq3A = arith.constant 0 : i32
    %eq3A_18 = arith.cmpi eq, %jit3A_17, %eq3A : i32
    %jit3A_19 = arith.constant 1 : i32
    %select_n3A_20 = arith.select %eq3A_18, %jit3A_19, %jit3A_17 : i32
    %rem3A_21 = arith.remsi %add3A, %select_n3A_20 : i32
    %ne3A_22 = arith.constant 0 : i32
    %ne3A_23 = arith.cmpi ne, %rem3A_21, %ne3A_22 : i32
    %lt3A = arith.constant 0 : i32
    %lt3A_24 = arith.cmpi slt, %rem3A_21, %lt3A : i32
    %lt3A_25 = arith.constant 0 : i32
    %lt3A_26 = arith.cmpi slt, %select_n3A_20, %lt3A_25 : i32
    %ne3A_27 = arith.xori %lt3A_24, %lt3A_26 : i1
    %and3A_28 = arith.andi %ne3A_27, %ne3A_23 : i1
    %add3A_29 = arith.addi %rem3A_21, %select_n3A_20 : i32
    %select_n3A_30 = arith.select %and3A_28, %add3A_29, %rem3A_21 : i32
    %mul3A_31 = arith.constant 256 : i32
    %mul3A_32 = arith.muli %select_n3A_30, %mul3A_31 : i32
    %add3A_33 = arith.constant 0 : i32
    %add3A_34 = arith.addi %mul3A_32, %add3A_33 : i32
    %dma_start3A = arith.constant 0 : i32
    %dma_start3A_35 = tpu.memref_slice %arg2[%select_n3A, %add3A_34, %dma_start3A] : memref<4x2048x4096xf32, #tpu.memory_space<hbm>> -> memref<1x4x4096xf32, #tpu.memory_space<hbm>>
    %dma_start3A_36 = tpu.memref_squeeze %dma_start3A_35 : memref<1x4x4096xf32, #tpu.memory_space<hbm>> -> memref<4x4096xf32, #tpu.memory_space<hbm>>
    %dma_start3A_37 = arith.constant 0 : i32
    %dma_start3A_38 = tpu.memref_slice %arg2[%select_n3A, %add3A_34, %dma_start3A_37] : memref<4x2048x4096xf32, #tpu.memory_space<hbm>> -> memref<1x4x4096xf32, #tpu.memory_space<hbm>>
    %dma_start3A_39 = tpu.memref_squeeze %dma_start3A_38 : memref<1x4x4096xf32, #tpu.memory_space<hbm>> -> memref<4x4096xf32, #tpu.memory_space<hbm>>
    tpu.enqueue_dma source(%dma_start3A_39 : memref<4x4096xf32, #tpu.memory_space<hbm>>) target(%arg6 : memref<4x4096xf32, #tpu.memory_space<vmem>>) target_semaphore(%arg12 : memref<!tpu.dma_semaphore, #tpu.memory_space<semaphore_mem>>)
    %add3A_40 = arith.constant 4 : i32
    %add3A_41 = arith.addi %mul3A_32, %add3A_40 : i32
    %dma_start3A_42 = arith.constant 0 : i32
    %dma_start3A_43 = tpu.memref_slice %arg2[%select_n3A, %add3A_41, %dma_start3A_42] : memref<4x2048x4096xf32, #tpu.memory_space<hbm>> -> memref<1x4x4096xf32, #tpu.memory_space<hbm>>
    %dma_start3A_44 = tpu.memref_squeeze %dma_start3A_43 : memref<1x4x4096xf32, #tpu.memory_space<hbm>> -> memref<4x4096xf32, #tpu.memory_space<hbm>>
    %dma_start3A_45 = arith.constant 0 : i32
    %dma_start3A_46 = tpu.memref_slice %arg2[%select_n3A, %add3A_41, %dma_start3A_45] : memref<4x2048x4096xf32, #tpu.memory_space<hbm>> -> memref<1x4x4096xf32, #tpu.memory_space<hbm>>
    %dma_start3A_47 = tpu.memref_squeeze %dma_start3A_46 : memref<1x4x4096xf32, #tpu.memory_space<hbm>> -> memref<4x4096xf32, #tpu.memory_space<hbm>>
    tpu.enqueue_dma source(%dma_start3A_47 : memref<4x4096xf32, #tpu.memory_space<hbm>>) target(%arg7 : memref<4x4096xf32, #tpu.memory_space<vmem>>) target_semaphore(%arg13 : memref<!tpu.dma_semaphore, #tpu.memory_space<semaphore_mem>>)
    %add3A_48 = arith.constant 8 : i32
    %add3A_49 = arith.addi %mul3A_32, %add3A_48 : i32
    %dma_start3A_50 = arith.constant 0 : i32
    %dma_start3A_51 = tpu.memref_slice %arg2[%select_n3A, %add3A_49, %dma_start3A_50] : memref<4x2048x4096xf32, #tpu.memory_space<hbm>> -> memref<1x4x4096xf32, #tpu.memory_space<hbm>>
    %dma_start3A_52 = tpu.memref_squeeze %dma_start3A_51 : memref<1x4x4096xf32, #tpu.memory_space<hbm>> -> memref<4x4096xf32, #tpu.memory_space<hbm>>
    %dma_start3A_53 = arith.constant 0 : i32
    %dma_start3A_54 = tpu.memref_slice %arg2[%select_n3A, %add3A_49, %dma_start3A_53] : memref<4x2048x4096xf32, #tpu.memory_space<hbm>> -> memref<1x4x4096xf32, #tpu.memory_space<hbm>>
    %dma_start3A_55 = tpu.memref_squeeze %dma_start3A_54 : memref<1x4x4096xf32, #tpu.memory_space<hbm>> -> memref<4x4096xf32, #tpu.memory_space<hbm>>
    tpu.enqueue_dma source(%dma_start3A_55 : memref<4x4096xf32, #tpu.memory_space<hbm>>) target(%arg8 : memref<4x4096xf32, #tpu.memory_space<vmem>>) target_semaphore(%arg14 : memref<!tpu.dma_semaphore, #tpu.memory_space<semaphore_mem>>)
    %add3A_56 = arith.constant 12 : i32
    %add3A_57 = arith.addi %mul3A_32, %add3A_56 : i32
    %dma_start3A_58 = arith.constant 0 : i32
    %dma_start3A_59 = tpu.memref_slice %arg2[%select_n3A, %add3A_57, %dma_start3A_58] : memref<4x2048x4096xf32, #tpu.memory_space<hbm>> -> memref<1x4x4096xf32, #tpu.memory_space<hbm>>
    %dma_start3A_60 = tpu.memref_squeeze %dma_start3A_59 : memref<1x4x4096xf32, #tpu.memory_space<hbm>> -> memref<4x4096xf32, #tpu.memory_space<hbm>>
    %dma_start3A_61 = arith.constant 0 : i32
    %dma_start3A_62 = tpu.memref_slice %arg2[%select_n3A, %add3A_57, %dma_start3A_61] : memref<4x2048x4096xf32, #tpu.memory_space<hbm>> -> memref<1x4x4096xf32, #tpu.memory_space<hbm>>
    %dma_start3A_63 = tpu.memref_squeeze %dma_start3A_62 : memref<1x4x4096xf32, #tpu.memory_space<hbm>> -> memref<4x4096xf32, #tpu.memory_space<hbm>>
    tpu.enqueue_dma source(%dma_start3A_63 : memref<4x4096xf32, #tpu.memory_space<hbm>>) target(%arg9 : memref<4x4096xf32, #tpu.memory_space<vmem>>) target_semaphore(%arg15 : memref<!tpu.dma_semaphore, #tpu.memory_space<semaphore_mem>>)
    %scan3A = arith.constant 0 : i32
    %scan3A_64 = arith.constant 0 : i32
    %scan3A_65 = arith.constant 16 : i32
    %scan3A_66 = arith.addi %scan3A_64, %scan3A_65 : i32
    %scan3A_67 = arith.constant 1 : i32
    %scan3A_68 = scf.for %scan3A_87 = %scan3A_64 to %scan3A_66 step %scan3A_67 iter_args(%scan3A_88 = %scan3A) -> (i32)  : i32 {
      %mul3A_89 = arith.constant 4 : i32
      %mul3A_90 = arith.muli %scan3A_87, %mul3A_89 : i32
      %add3A_91 = arith.constant 0 : i32
      %add3A_92 = arith.addi %mul3A_90, %add3A_91 : i32
      %dma_wait3A_93 = arith.constant 0 : i32
      %dma_wait3A_94 = arith.constant 0 : i32
      %dma_wait3A_95 = arith.constant 0 : i32
      %dma_wait3A_96 = tpu.memref_slice %arg2[%dma_wait3A_93, %dma_wait3A_94, %dma_wait3A_95] : memref<4x2048x4096xf32, #tpu.memory_space<hbm>> -> memref<1x4x4096xf32, #tpu.memory_space<hbm>>
      %dma_wait3A_97 = tpu.memref_squeeze %dma_wait3A_96 : memref<1x4x4096xf32, #tpu.memory_space<hbm>> -> memref<4x4096xf32, #tpu.memory_space<hbm>>
      %dma_wait3A_98 = arith.constant 0 : i32
      %dma_wait3A_99 = arith.constant 0 : i32
      %dma_wait3A_100 = tpu.memref_slice %arg2[%dma_wait3A_93, %dma_wait3A_98, %dma_wait3A_99] : memref<4x2048x4096xf32, #tpu.memory_space<hbm>> -> memref<1x4x4096xf32, #tpu.memory_space<hbm>>
      %dma_wait3A_101 = tpu.memref_squeeze %dma_wait3A_100 : memref<1x4x4096xf32, #tpu.memory_space<hbm>> -> memref<4x4096xf32, #tpu.memory_space<hbm>>
      tpu.wait_dma2 semaphore(%arg12 : memref<!tpu.dma_semaphore, #tpu.memory_space<semaphore_mem>>) src(%dma_wait3A_101 : memref<4x4096xf32, #tpu.memory_space<hbm>>) dst(%arg6 : memref<4x4096xf32, #tpu.memory_space<vmem>>)
      %ge3A = arith.constant 2 : i32
      %ge3A_102 = arith.cmpi sge, %add3A_92, %ge3A : i32
      %convert_element_type3A = arith.extui %ge3A_102 : i1 to i32
      %cond3A = arith.constant 0 : i32
      %cond3A_103 = arith.cmpi ne, %convert_element_type3A, %cond3A : i32
      scf.if %cond3A_103 {
        %dma_wait3A_234 = arith.constant 0 : i32
        %dma_wait3A_235 = arith.constant 0 : i32
        %dma_wait3A_236 = arith.constant 0 : i32
        %dma_wait3A_237 = tpu.memref_slice %arg4[%dma_wait3A_234, %dma_wait3A_235, %dma_wait3A_236] : memref<4x2048x4096xf32, #tpu.memory_space<hbm>> -> memref<1x4x4096xf32, #tpu.memory_space<hbm>>
        %dma_wait3A_238 = tpu.memref_squeeze %dma_wait3A_237 : memref<1x4x4096xf32, #tpu.memory_space<hbm>> -> memref<4x4096xf32, #tpu.memory_space<hbm>>
        %dma_wait3A_239 = arith.constant 0 : i32
        %dma_wait3A_240 = arith.constant 0 : i32
        %dma_wait3A_241 = tpu.memref_slice %arg4[%dma_wait3A_234, %dma_wait3A_239, %dma_wait3A_240] : memref<4x2048x4096xf32, #tpu.memory_space<hbm>> -> memref<1x4x4096xf32, #tpu.memory_space<hbm>>
        %dma_wait3A_242 = tpu.memref_squeeze %dma_wait3A_241 : memref<1x4x4096xf32, #tpu.memory_space<hbm>> -> memref<4x4096xf32, #tpu.memory_space<hbm>>
        tpu.wait_dma2 semaphore(%arg16 : memref<!tpu.dma_semaphore, #tpu.memory_space<semaphore_mem>>) src(%arg10 : memref<4x4096xf32, #tpu.memory_space<vmem>>) dst(%dma_wait3A_242 : memref<4x4096xf32, #tpu.memory_space<hbm>>)
      } else {
      }
      %parallel_loop3A = arith.constant 0 : i32
      %parallel_loop3A_104 = arith.constant 256 : i32
      %parallel_loop3A_105 = arith.constant 1 : i32
      scf.for %parallel_loop3A_234 = %parallel_loop3A to %parallel_loop3A_104 step %parallel_loop3A_105  : i32 {
        %parallel_loop3A_235 = arith.constant 16 : i32
        %parallel_loop3A_236 = arith.muli %parallel_loop3A_234, %parallel_loop3A_235 : i32
        %parallel_loop3A_237 = arith.index_cast %parallel_loop3A_236 : i32 to index
        %parallel_loop3A_238 = tpu.vector_load %arg5[%parallel_loop3A_237] {strides = array<i32>} : memref<4096xi32, #tpu.memory_space<vmem>>, vector<16xi32>,
        %parallel_loop3A_239 = arith.constant 0 : i32
        %parallel_loop3A_240 = vector.broadcast %parallel_loop3A_239 : i32 to vector<16xi32>
        %parallel_loop3A_241 = tpu.vector_load_idx %arg6[%parallel_loop3A_240, %parallel_loop3A_238] : memref<4x4096xf32, #tpu.memory_space<vmem>>[vector<16xi32>, vector<16xi32>], vector<16xf32>,
        %parallel_loop3A_242 = arith.constant 16 : i32
        %parallel_loop3A_243 = arith.muli %parallel_loop3A_234, %parallel_loop3A_242 : i32
        %parallel_loop3A_244 = arith.constant 0 : i32
        %parallel_loop3A_245 = arith.index_cast %parallel_loop3A_244 : i32 to index
        %parallel_loop3A_246 = arith.index_cast %parallel_loop3A_243 : i32 to index
        %parallel_loop3A_247 = tpu.vector_load %arg10[%parallel_loop3A_245, %parallel_loop3A_246] {strides = array<i32>} : memref<4x4096xf32, #tpu.memory_space<vmem>>, vector<16xf32>,
        tpu.vector_store %arg10[%parallel_loop3A_245, %parallel_loop3A_246], %parallel_loop3A_241 {strides = array<i32>} : memref<4x4096xf32, #tpu.memory_space<vmem>>, vector<16xf32>,
        %parallel_loop3A_248 = arith.constant 1 : i32
        %parallel_loop3A_249 = vector.broadcast %parallel_loop3A_248 : i32 to vector<16xi32>
        %parallel_loop3A_250 = tpu.vector_load_idx %arg6[%parallel_loop3A_249, %parallel_loop3A_238] : memref<4x4096xf32, #tpu.memory_space<vmem>>[vector<16xi32>, vector<16xi32>], vector<16xf32>,
        %parallel_loop3A_251 = arith.constant 16 : i32
        %parallel_loop3A_252 = arith.muli %parallel_loop3A_234, %parallel_loop3A_251 : i32
        %parallel_loop3A_253 = arith.constant 1 : i32
        %parallel_loop3A_254 = arith.index_cast %parallel_loop3A_253 : i32 to index
        %parallel_loop3A_255 = arith.index_cast %parallel_loop3A_252 : i32 to index
        %parallel_loop3A_256 = tpu.vector_load %arg10[%parallel_loop3A_254, %parallel_loop3A_255] {strides = array<i32>} : memref<4x4096xf32, #tpu.memory_space<vmem>>, vector<16xf32>,
        tpu.vector_store %arg10[%parallel_loop3A_254, %parallel_loop3A_255], %parallel_loop3A_250 {strides = array<i32>} : memref<4x4096xf32, #tpu.memory_space<vmem>>, vector<16xf32>,
        %parallel_loop3A_257 = arith.constant 2 : i32
        %parallel_loop3A_258 = vector.broadcast %parallel_loop3A_257 : i32 to vector<16xi32>
        %parallel_loop3A_259 = tpu.vector_load_idx %arg6[%parallel_loop3A_258, %parallel_loop3A_238] : memref<4x4096xf32, #tpu.memory_space<vmem>>[vector<16xi32>, vector<16xi32>], vector<16xf32>,
        %parallel_loop3A_260 = arith.constant 16 : i32
        %parallel_loop3A_261 = arith.muli %parallel_loop3A_234, %parallel_loop3A_260 : i32
        %parallel_loop3A_262 = arith.constant 2 : i32
        %parallel_loop3A_263 = arith.index_cast %parallel_loop3A_262 : i32 to index
        %parallel_loop3A_264 = arith.index_cast %parallel_loop3A_261 : i32 to index
        %parallel_loop3A_265 = tpu.vector_load %arg10[%parallel_loop3A_263, %parallel_loop3A_264] {strides = array<i32>} : memref<4x4096xf32, #tpu.memory_space<vmem>>, vector<16xf32>,
        tpu.vector_store %arg10[%parallel_loop3A_263, %parallel_loop3A_264], %parallel_loop3A_259 {strides = array<i32>} : memref<4x4096xf32, #tpu.memory_space<vmem>>, vector<16xf32>,
        %parallel_loop3A_266 = arith.constant 3 : i32
        %parallel_loop3A_267 = vector.broadcast %parallel_loop3A_266 : i32 to vector<16xi32>
        %parallel_loop3A_268 = tpu.vector_load_idx %arg6[%parallel_loop3A_267, %parallel_loop3A_238] : memref<4x4096xf32, #tpu.memory_space<vmem>>[vector<16xi32>, vector<16xi32>], vector<16xf32>,
        %parallel_loop3A_269 = arith.constant 16 : i32
        %parallel_loop3A_270 = arith.muli %parallel_loop3A_234, %parallel_loop3A_269 : i32
        %parallel_loop3A_271 = arith.constant 3 : i32
        %parallel_loop3A_272 = arith.index_cast %parallel_loop3A_271 : i32 to index
        %parallel_loop3A_273 = arith.index_cast %parallel_loop3A_270 : i32 to index
        %parallel_loop3A_274 = tpu.vector_load %arg10[%parallel_loop3A_272, %parallel_loop3A_273] {strides = array<i32>} : memref<4x4096xf32, #tpu.memory_space<vmem>>, vector<16xf32>,
        tpu.vector_store %arg10[%parallel_loop3A_272, %parallel_loop3A_273], %parallel_loop3A_268 {strides = array<i32>} : memref<4x4096xf32, #tpu.memory_space<vmem>>, vector<16xf32>,
      } {sc.loop_unroll_factor = 8 : i64, sc.parallel_access}
      %mul3A_106 = arith.constant 4 : i32
      %mul3A_107 = arith.muli %add3A_92, %mul3A_106 : i32
      %add3A_108 = arith.addi %mul3A_32, %mul3A_107 : i32
      %dma_start3A_109 = arith.constant 0 : i32
      %dma_start3A_110 = tpu.memref_slice %arg4[%select_n3A, %add3A_108, %dma_start3A_109] : memref<4x2048x4096xf32, #tpu.memory_space<hbm>> -> memref<1x4x4096xf32, #tpu.memory_space<hbm>>
      %dma_start3A_111 = tpu.memref_squeeze %dma_start3A_110 : memref<1x4x4096xf32, #tpu.memory_space<hbm>> -> memref<4x4096xf32, #tpu.memory_space<hbm>>
      %dma_start3A_112 = arith.constant 0 : i32
      %dma_start3A_113 = tpu.memref_slice %arg4[%select_n3A, %add3A_108, %dma_start3A_112] : memref<4x2048x4096xf32, #tpu.memory_space<hbm>> -> memref<1x4x4096xf32, #tpu.memory_space<hbm>>
      %dma_start3A_114 = tpu.memref_squeeze %dma_start3A_113 : memref<1x4x4096xf32, #tpu.memory_space<hbm>> -> memref<4x4096xf32, #tpu.memory_space<hbm>>
      tpu.enqueue_dma source(%arg10 : memref<4x4096xf32, #tpu.memory_space<vmem>>) target(%dma_start3A_114 : memref<4x4096xf32, #tpu.memory_space<hbm>>) target_semaphore(%arg16 : memref<!tpu.dma_semaphore, #tpu.memory_space<semaphore_mem>>)
      %add3A_115 = arith.constant 4 : i32
      %add3A_116 = arith.addi %add3A_92, %add3A_115 : i32
      %lt3A_117 = arith.constant 64 : i32
      %lt3A_118 = arith.cmpi slt, %add3A_116, %lt3A_117 : i32
      %convert_element_type3A_119 = arith.extui %lt3A_118 : i1 to i32
      %cond3A_120 = arith.constant 0 : i32
      %cond3A_121 = arith.cmpi ne, %convert_element_type3A_119, %cond3A_120 : i32
      scf.if %cond3A_121 {
        %add3A_234 = arith.constant 4 : i32
        %add3A_235 = arith.addi %add3A_92, %add3A_234 : i32
        %mul3A_236 = arith.constant 4 : i32
        %mul3A_237 = arith.muli %add3A_235, %mul3A_236 : i32
        %add3A_238 = arith.addi %mul3A_32, %mul3A_237 : i32
        %dma_start3A_239 = arith.constant 0 : i32
        %dma_start3A_240 = tpu.memref_slice %arg2[%select_n3A, %add3A_238, %dma_start3A_239] : memref<4x2048x4096xf32, #tpu.memory_space<hbm>> -> memref<1x4x4096xf32, #tpu.memory_space<hbm>>
        %dma_start3A_241 = tpu.memref_squeeze %dma_start3A_240 : memref<1x4x4096xf32, #tpu.memory_space<hbm>> -> memref<4x4096xf32, #tpu.memory_space<hbm>>
        %dma_start3A_242 = arith.constant 0 : i32
        %dma_start3A_243 = tpu.memref_slice %arg2[%select_n3A, %add3A_238, %dma_start3A_242] : memref<4x2048x4096xf32, #tpu.memory_space<hbm>> -> memref<1x4x4096xf32, #tpu.memory_space<hbm>>
        %dma_start3A_244 = tpu.memref_squeeze %dma_start3A_243 : memref<1x4x4096xf32, #tpu.memory_space<hbm>> -> memref<4x4096xf32, #tpu.memory_space<hbm>>
        tpu.enqueue_dma source(%dma_start3A_244 : memref<4x4096xf32, #tpu.memory_space<hbm>>) target(%arg6 : memref<4x4096xf32, #tpu.memory_space<vmem>>) target_semaphore(%arg12 : memref<!tpu.dma_semaphore, #tpu.memory_space<semaphore_mem>>)
      } else {
      }
      %mul3A_122 = arith.constant 4 : i32
      %mul3A_123 = arith.muli %scan3A_87, %mul3A_122 : i32
      %add3A_124 = arith.constant 1 : i32
      %add3A_125 = arith.addi %mul3A_123, %add3A_124 : i32
      %dma_wait3A_126 = arith.constant 0 : i32
      %dma_wait3A_127 = arith.constant 0 : i32
      %dma_wait3A_128 = arith.constant 0 : i32
      %dma_wait3A_129 = tpu.memref_slice %arg2[%dma_wait3A_126, %dma_wait3A_127, %dma_wait3A_128] : memref<4x2048x4096xf32, #tpu.memory_space<hbm>> -> memref<1x4x4096xf32, #tpu.memory_space<hbm>>
      %dma_wait3A_130 = tpu.memref_squeeze %dma_wait3A_129 : memref<1x4x4096xf32, #tpu.memory_space<hbm>> -> memref<4x4096xf32, #tpu.memory_space<hbm>>
      %dma_wait3A_131 = arith.constant 0 : i32
      %dma_wait3A_132 = arith.constant 0 : i32
      %dma_wait3A_133 = tpu.memref_slice %arg2[%dma_wait3A_126, %dma_wait3A_131, %dma_wait3A_132] : memref<4x2048x4096xf32, #tpu.memory_space<hbm>> -> memref<1x4x4096xf32, #tpu.memory_space<hbm>>
      %dma_wait3A_134 = tpu.memref_squeeze %dma_wait3A_133 : memref<1x4x4096xf32, #tpu.memory_space<hbm>> -> memref<4x4096xf32, #tpu.memory_space<hbm>>
      tpu.wait_dma2 semaphore(%arg13 : memref<!tpu.dma_semaphore, #tpu.memory_space<semaphore_mem>>) src(%dma_wait3A_134 : memref<4x4096xf32, #tpu.memory_space<hbm>>) dst(%arg7 : memref<4x4096xf32, #tpu.memory_space<vmem>>)
      %ge3A_135 = arith.constant 2 : i32
      %ge3A_136 = arith.cmpi sge, %add3A_125, %ge3A_135 : i32
      %convert_element_type3A_137 = arith.extui %ge3A_136 : i1 to i32
      %cond3A_138 = arith.constant 0 : i32
      %cond3A_139 = arith.cmpi ne, %convert_element_type3A_137, %cond3A_138 : i32
      scf.if %cond3A_139 {
        %dma_wait3A_234 = arith.constant 0 : i32
        %dma_wait3A_235 = arith.constant 0 : i32
        %dma_wait3A_236 = arith.constant 0 : i32
        %dma_wait3A_237 = tpu.memref_slice %arg4[%dma_wait3A_234, %dma_wait3A_235, %dma_wait3A_236] : memref<4x2048x4096xf32, #tpu.memory_space<hbm>> -> memref<1x4x4096xf32, #tpu.memory_space<hbm>>
        %dma_wait3A_238 = tpu.memref_squeeze %dma_wait3A_237 : memref<1x4x4096xf32, #tpu.memory_space<hbm>> -> memref<4x4096xf32, #tpu.memory_space<hbm>>
        %dma_wait3A_239 = arith.constant 0 : i32
        %dma_wait3A_240 = arith.constant 0 : i32
        %dma_wait3A_241 = tpu.memref_slice %arg4[%dma_wait3A_234, %dma_wait3A_239, %dma_wait3A_240] : memref<4x2048x4096xf32, #tpu.memory_space<hbm>> -> memref<1x4x4096xf32, #tpu.memory_space<hbm>>
        %dma_wait3A_242 = tpu.memref_squeeze %dma_wait3A_241 : memref<1x4x4096xf32, #tpu.memory_space<hbm>> -> memref<4x4096xf32, #tpu.memory_space<hbm>>
        tpu.wait_dma2 semaphore(%arg17 : memref<!tpu.dma_semaphore, #tpu.memory_space<semaphore_mem>>) src(%arg11 : memref<4x4096xf32, #tpu.memory_space<vmem>>) dst(%dma_wait3A_242 : memref<4x4096xf32, #tpu.memory_space<hbm>>)
      } else {
      }
      %parallel_loop3A_140 = arith.constant 0 : i32
      %parallel_loop3A_141 = arith.constant 256 : i32
      %parallel_loop3A_142 = arith.constant 1 : i32
      scf.for %parallel_loop3A_234 = %parallel_loop3A_140 to %parallel_loop3A_141 step %parallel_loop3A_142  : i32 {
        %parallel_loop3A_235 = arith.constant 16 : i32
        %parallel_loop3A_236 = arith.muli %parallel_loop3A_234, %parallel_loop3A_235 : i32
        %parallel_loop3A_237 = arith.index_cast %parallel_loop3A_236 : i32 to index
        %parallel_loop3A_238 = tpu.vector_load %arg5[%parallel_loop3A_237] {strides = array<i32>} : memref<4096xi32, #tpu.memory_space<vmem>>, vector<16xi32>,
        %parallel_loop3A_239 = arith.constant 0 : i32
        %parallel_loop3A_240 = vector.broadcast %parallel_loop3A_239 : i32 to vector<16xi32>
        %parallel_loop3A_241 = tpu.vector_load_idx %arg7[%parallel_loop3A_240, %parallel_loop3A_238] : memref<4x4096xf32, #tpu.memory_space<vmem>>[vector<16xi32>, vector<16xi32>], vector<16xf32>,
        %parallel_loop3A_242 = arith.constant 16 : i32
        %parallel_loop3A_243 = arith.muli %parallel_loop3A_234, %parallel_loop3A_242 : i32
        %parallel_loop3A_244 = arith.constant 0 : i32
        %parallel_loop3A_245 = arith.index_cast %parallel_loop3A_244 : i32 to index
        %parallel_loop3A_246 = arith.index_cast %parallel_loop3A_243 : i32 to index
        %parallel_loop3A_247 = tpu.vector_load %arg11[%parallel_loop3A_245, %parallel_loop3A_246] {strides = array<i32>} : memref<4x4096xf32, #tpu.memory_space<vmem>>, vector<16xf32>,
        tpu.vector_store %arg11[%parallel_loop3A_245, %parallel_loop3A_246], %parallel_loop3A_241 {strides = array<i32>} : memref<4x4096xf32, #tpu.memory_space<vmem>>, vector<16xf32>,
        %parallel_loop3A_248 = arith.constant 1 : i32
        %parallel_loop3A_249 = vector.broadcast %parallel_loop3A_248 : i32 to vector<16xi32>
        %parallel_loop3A_250 = tpu.vector_load_idx %arg7[%parallel_loop3A_249, %parallel_loop3A_238] : memref<4x4096xf32, #tpu.memory_space<vmem>>[vector<16xi32>, vector<16xi32>], vector<16xf32>,
        %parallel_loop3A_251 = arith.constant 16 : i32
        %parallel_loop3A_252 = arith.muli %parallel_loop3A_234, %parallel_loop3A_251 : i32
        %parallel_loop3A_253 = arith.constant 1 : i32
        %parallel_loop3A_254 = arith.index_cast %parallel_loop3A_253 : i32 to index
        %parallel_loop3A_255 = arith.index_cast %parallel_loop3A_252 : i32 to index
        %parallel_loop3A_256 = tpu.vector_load %arg11[%parallel_loop3A_254, %parallel_loop3A_255] {strides = array<i32>} : memref<4x4096xf32, #tpu.memory_space<vmem>>, vector<16xf32>,
        tpu.vector_store %arg11[%parallel_loop3A_254, %parallel_loop3A_255], %parallel_loop3A_250 {strides = array<i32>} : memref<4x4096xf32, #tpu.memory_space<vmem>>, vector<16xf32>,
        %parallel_loop3A_257 = arith.constant 2 : i32
        %parallel_loop3A_258 = vector.broadcast %parallel_loop3A_257 : i32 to vector<16xi32>
        %parallel_loop3A_259 = tpu.vector_load_idx %arg7[%parallel_loop3A_258, %parallel_loop3A_238] : memref<4x4096xf32, #tpu.memory_space<vmem>>[vector<16xi32>, vector<16xi32>], vector<16xf32>,
        %parallel_loop3A_260 = arith.constant 16 : i32
        %parallel_loop3A_261 = arith.muli %parallel_loop3A_234, %parallel_loop3A_260 : i32
        %parallel_loop3A_262 = arith.constant 2 : i32
        %parallel_loop3A_263 = arith.index_cast %parallel_loop3A_262 : i32 to index
        %parallel_loop3A_264 = arith.index_cast %parallel_loop3A_261 : i32 to index
        %parallel_loop3A_265 = tpu.vector_load %arg11[%parallel_loop3A_263, %parallel_loop3A_264] {strides = array<i32>} : memref<4x4096xf32, #tpu.memory_space<vmem>>, vector<16xf32>,
        tpu.vector_store %arg11[%parallel_loop3A_263, %parallel_loop3A_264], %parallel_loop3A_259 {strides = array<i32>} : memref<4x4096xf32, #tpu.memory_space<vmem>>, vector<16xf32>,
        %parallel_loop3A_266 = arith.constant 3 : i32
        %parallel_loop3A_267 = vector.broadcast %parallel_loop3A_266 : i32 to vector<16xi32>
        %parallel_loop3A_268 = tpu.vector_load_idx %arg7[%parallel_loop3A_267, %parallel_loop3A_238] : memref<4x4096xf32, #tpu.memory_space<vmem>>[vector<16xi32>, vector<16xi32>], vector<16xf32>,
        %parallel_loop3A_269 = arith.constant 16 : i32
        %parallel_loop3A_270 = arith.muli %parallel_loop3A_234, %parallel_loop3A_269 : i32
        %parallel_loop3A_271 = arith.constant 3 : i32
        %parallel_loop3A_272 = arith.index_cast %parallel_loop3A_271 : i32 to index
        %parallel_loop3A_273 = arith.index_cast %parallel_loop3A_270 : i32 to index
        %parallel_loop3A_274 = tpu.vector_load %arg11[%parallel_loop3A_272, %parallel_loop3A_273] {strides = array<i32>} : memref<4x4096xf32, #tpu.memory_space<vmem>>, vector<16xf32>,
        tpu.vector_store %arg11[%parallel_loop3A_272, %parallel_loop3A_273], %parallel_loop3A_268 {strides = array<i32>} : memref<4x4096xf32, #tpu.memory_space<vmem>>, vector<16xf32>,
      } {sc.loop_unroll_factor = 8 : i64, sc.parallel_access}
      %mul3A_143 = arith.constant 4 : i32
      %mul3A_144 = arith.muli %add3A_125, %mul3A_143 : i32
      %add3A_145 = arith.addi %mul3A_32, %mul3A_144 : i32
      %dma_start3A_146 = arith.constant 0 : i32
      %dma_start3A_147 = tpu.memref_slice %arg4[%select_n3A, %add3A_145, %dma_start3A_146] : memref<4x2048x4096xf32, #tpu.memory_space<hbm>> -> memref<1x4x4096xf32, #tpu.memory_space<hbm>>
      %dma_start3A_148 = tpu.memref_squeeze %dma_start3A_147 : memref<1x4x4096xf32, #tpu.memory_space<hbm>> -> memref<4x4096xf32, #tpu.memory_space<hbm>>
      %dma_start3A_149 = arith.constant 0 : i32
      %dma_start3A_150 = tpu.memref_slice %arg4[%select_n3A, %add3A_145, %dma_start3A_149] : memref<4x2048x4096xf32, #tpu.memory_space<hbm>> -> memref<1x4x4096xf32, #tpu.memory_space<hbm>>
      %dma_start3A_151 = tpu.memref_squeeze %dma_start3A_150 : memref<1x4x4096xf32, #tpu.memory_space<hbm>> -> memref<4x4096xf32, #tpu.memory_space<hbm>>
      tpu.enqueue_dma source(%arg11 : memref<4x4096xf32, #tpu.memory_space<vmem>>) target(%dma_start3A_151 : memref<4x4096xf32, #tpu.memory_space<hbm>>) target_semaphore(%arg17 : memref<!tpu.dma_semaphore, #tpu.memory_space<semaphore_mem>>)
      %add3A_152 = arith.constant 4 : i32
      %add3A_153 = arith.addi %add3A_125, %add3A_152 : i32
      %lt3A_154 = arith.constant 64 : i32
      %lt3A_155 = arith.cmpi slt, %add3A_153, %lt3A_154 : i32
      %convert_element_type3A_156 = arith.extui %lt3A_155 : i1 to i32
      %cond3A_157 = arith.constant 0 : i32
      %cond3A_158 = arith.cmpi ne, %convert_element_type3A_156, %cond3A_157 : i32
      scf.if %cond3A_158 {
        %add3A_234 = arith.constant 4 : i32
        %add3A_235 = arith.addi %add3A_125, %add3A_234 : i32
        %mul3A_236 = arith.constant 4 : i32
        %mul3A_237 = arith.muli %add3A_235, %mul3A_236 : i32
        %add3A_238 = arith.addi %mul3A_32, %mul3A_237 : i32
        %dma_start3A_239 = arith.constant 0 : i32
        %dma_start3A_240 = tpu.memref_slice %arg2[%select_n3A, %add3A_238, %dma_start3A_239] : memref<4x2048x4096xf32, #tpu.memory_space<hbm>> -> memref<1x4x4096xf32, #tpu.memory_space<hbm>>
        %dma_start3A_241 = tpu.memref_squeeze %dma_start3A_240 : memref<1x4x4096xf32, #tpu.memory_space<hbm>> -> memref<4x4096xf32, #tpu.memory_space<hbm>>
        %dma_start3A_242 = arith.constant 0 : i32
        %dma_start3A_243 = tpu.memref_slice %arg2[%select_n3A, %add3A_238, %dma_start3A_242] : memref<4x2048x4096xf32, #tpu.memory_space<hbm>> -> memref<1x4x4096xf32, #tpu.memory_space<hbm>>
        %dma_start3A_244 = tpu.memref_squeeze %dma_start3A_243 : memref<1x4x4096xf32, #tpu.memory_space<hbm>> -> memref<4x4096xf32, #tpu.memory_space<hbm>>
        tpu.enqueue_dma source(%dma_start3A_244 : memref<4x4096xf32, #tpu.memory_space<hbm>>) target(%arg7 : memref<4x4096xf32, #tpu.memory_space<vmem>>) target_semaphore(%arg13 : memref<!tpu.dma_semaphore, #tpu.memory_space<semaphore_mem>>)
      } else {
      }
      %mul3A_159 = arith.constant 4 : i32
      %mul3A_160 = arith.muli %scan3A_87, %mul3A_159 : i32
      %add3A_161 = arith.constant 2 : i32
      %add3A_162 = arith.addi %mul3A_160, %add3A_161 : i32
      %dma_wait3A_163 = arith.constant 0 : i32
      %dma_wait3A_164 = arith.constant 0 : i32
      %dma_wait3A_165 = arith.constant 0 : i32
      %dma_wait3A_166 = tpu.memref_slice %arg2[%dma_wait3A_163, %dma_wait3A_164, %dma_wait3A_165] : memref<4x2048x4096xf32, #tpu.memory_space<hbm>> -> memref<1x4x4096xf32, #tpu.memory_space<hbm>>
      %dma_wait3A_167 = tpu.memref_squeeze %dma_wait3A_166 : memref<1x4x4096xf32, #tpu.memory_space<hbm>> -> memref<4x4096xf32, #tpu.memory_space<hbm>>
      %dma_wait3A_168 = arith.constant 0 : i32
      %dma_wait3A_169 = arith.constant 0 : i32
      %dma_wait3A_170 = tpu.memref_slice %arg2[%dma_wait3A_163, %dma_wait3A_168, %dma_wait3A_169] : memref<4x2048x4096xf32, #tpu.memory_space<hbm>> -> memref<1x4x4096xf32, #tpu.memory_space<hbm>>
      %dma_wait3A_171 = tpu.memref_squeeze %dma_wait3A_170 : memref<1x4x4096xf32, #tpu.memory_space<hbm>> -> memref<4x4096xf32, #tpu.memory_space<hbm>>
      tpu.wait_dma2 semaphore(%arg14 : memref<!tpu.dma_semaphore, #tpu.memory_space<semaphore_mem>>) src(%dma_wait3A_171 : memref<4x4096xf32, #tpu.memory_space<hbm>>) dst(%arg8 : memref<4x4096xf32, #tpu.memory_space<vmem>>)
      %ge3A_172 = arith.constant 2 : i32
      %ge3A_173 = arith.cmpi sge, %add3A_162, %ge3A_172 : i32
      %convert_element_type3A_174 = arith.extui %ge3A_173 : i1 to i32
      %cond3A_175 = arith.constant 0 : i32
      %cond3A_176 = arith.cmpi ne, %convert_element_type3A_174, %cond3A_175 : i32
      scf.if %cond3A_176 {
        %dma_wait3A_234 = arith.constant 0 : i32
        %dma_wait3A_235 = arith.constant 0 : i32
        %dma_wait3A_236 = arith.constant 0 : i32
        %dma_wait3A_237 = tpu.memref_slice %arg4[%dma_wait3A_234, %dma_wait3A_235, %dma_wait3A_236] : memref<4x2048x4096xf32, #tpu.memory_space<hbm>> -> memref<1x4x4096xf32, #tpu.memory_space<hbm>>
        %dma_wait3A_238 = tpu.memref_squeeze %dma_wait3A_237 : memref<1x4x4096xf32, #tpu.memory_space<hbm>> -> memref<4x4096xf32, #tpu.memory_space<hbm>>
        %dma_wait3A_239 = arith.constant 0 : i32
        %dma_wait3A_240 = arith.constant 0 : i32
        %dma_wait3A_241 = tpu.memref_slice %arg4[%dma_wait3A_234, %dma_wait3A_239, %dma_wait3A_240] : memref<4x2048x4096xf32, #tpu.memory_space<hbm>> -> memref<1x4x4096xf32, #tpu.memory_space<hbm>>
        %dma_wait3A_242 = tpu.memref_squeeze %dma_wait3A_241 : memref<1x4x4096xf32, #tpu.memory_space<hbm>> -> memref<4x4096xf32, #tpu.memory_space<hbm>>
        tpu.wait_dma2 semaphore(%arg16 : memref<!tpu.dma_semaphore, #tpu.memory_space<semaphore_mem>>) src(%arg10 : memref<4x4096xf32, #tpu.memory_space<vmem>>) dst(%dma_wait3A_242 : memref<4x4096xf32, #tpu.memory_space<hbm>>)
      } else {
      }
      %parallel_loop3A_177 = arith.constant 0 : i32
      %parallel_loop3A_178 = arith.constant 256 : i32
      %parallel_loop3A_179 = arith.constant 1 : i32
      scf.for %parallel_loop3A_234 = %parallel_loop3A_177 to %parallel_loop3A_178 step %parallel_loop3A_179  : i32 {
        %parallel_loop3A_235 = arith.constant 16 : i32
        %parallel_loop3A_236 = arith.muli %parallel_loop3A_234, %parallel_loop3A_235 : i32
        %parallel_loop3A_237 = arith.index_cast %parallel_loop3A_236 : i32 to index
        %parallel_loop3A_238 = tpu.vector_load %arg5[%parallel_loop3A_237] {strides = array<i32>} : memref<4096xi32, #tpu.memory_space<vmem>>, vector<16xi32>,
        %parallel_loop3A_239 = arith.constant 0 : i32
        %parallel_loop3A_240 = vector.broadcast %parallel_loop3A_239 : i32 to vector<16xi32>
        %parallel_loop3A_241 = tpu.vector_load_idx %arg8[%parallel_loop3A_240, %parallel_loop3A_238] : memref<4x4096xf32, #tpu.memory_space<vmem>>[vector<16xi32>, vector<16xi32>], vector<16xf32>,
        %parallel_loop3A_242 = arith.constant 16 : i32
        %parallel_loop3A_243 = arith.muli %parallel_loop3A_234, %parallel_loop3A_242 : i32
        %parallel_loop3A_244 = arith.constant 0 : i32
        %parallel_loop3A_245 = arith.index_cast %parallel_loop3A_244 : i32 to index
        %parallel_loop3A_246 = arith.index_cast %parallel_loop3A_243 : i32 to index
        %parallel_loop3A_247 = tpu.vector_load %arg10[%parallel_loop3A_245, %parallel_loop3A_246] {strides = array<i32>} : memref<4x4096xf32, #tpu.memory_space<vmem>>, vector<16xf32>,
        tpu.vector_store %arg10[%parallel_loop3A_245, %parallel_loop3A_246], %parallel_loop3A_241 {strides = array<i32>} : memref<4x4096xf32, #tpu.memory_space<vmem>>, vector<16xf32>,
        %parallel_loop3A_248 = arith.constant 1 : i32
        %parallel_loop3A_249 = vector.broadcast %parallel_loop3A_248 : i32 to vector<16xi32>
        %parallel_loop3A_250 = tpu.vector_load_idx %arg8[%parallel_loop3A_249, %parallel_loop3A_238] : memref<4x4096xf32, #tpu.memory_space<vmem>>[vector<16xi32>, vector<16xi32>], vector<16xf32>,
        %parallel_loop3A_251 = arith.constant 16 : i32
        %parallel_loop3A_252 = arith.muli %parallel_loop3A_234, %parallel_loop3A_251 : i32
        %parallel_loop3A_253 = arith.constant 1 : i32
        %parallel_loop3A_254 = arith.index_cast %parallel_loop3A_253 : i32 to index
        %parallel_loop3A_255 = arith.index_cast %parallel_loop3A_252 : i32 to index
        %parallel_loop3A_256 = tpu.vector_load %arg10[%parallel_loop3A_254, %parallel_loop3A_255] {strides = array<i32>} : memref<4x4096xf32, #tpu.memory_space<vmem>>, vector<16xf32>,
        tpu.vector_store %arg10[%parallel_loop3A_254, %parallel_loop3A_255], %parallel_loop3A_250 {strides = array<i32>} : memref<4x4096xf32, #tpu.memory_space<vmem>>, vector<16xf32>,
        %parallel_loop3A_257 = arith.constant 2 : i32
        %parallel_loop3A_258 = vector.broadcast %parallel_loop3A_257 : i32 to vector<16xi32>
        %parallel_loop3A_259 = tpu.vector_load_idx %arg8[%parallel_loop3A_258, %parallel_loop3A_238] : memref<4x4096xf32, #tpu.memory_space<vmem>>[vector<16xi32>, vector<16xi32>], vector<16xf32>,
        %parallel_loop3A_260 = arith.constant 16 : i32
        %parallel_loop3A_261 = arith.muli %parallel_loop3A_234, %parallel_loop3A_260 : i32
        %parallel_loop3A_262 = arith.constant 2 : i32
        %parallel_loop3A_263 = arith.index_cast %parallel_loop3A_262 : i32 to index
        %parallel_loop3A_264 = arith.index_cast %parallel_loop3A_261 : i32 to index
        %parallel_loop3A_265 = tpu.vector_load %arg10[%parallel_loop3A_263, %parallel_loop3A_264] {strides = array<i32>} : memref<4x4096xf32, #tpu.memory_space<vmem>>, vector<16xf32>,
        tpu.vector_store %arg10[%parallel_loop3A_263, %parallel_loop3A_264], %parallel_loop3A_259 {strides = array<i32>} : memref<4x4096xf32, #tpu.memory_space<vmem>>, vector<16xf32>,
        %parallel_loop3A_266 = arith.constant 3 : i32
        %parallel_loop3A_267 = vector.broadcast %parallel_loop3A_266 : i32 to vector<16xi32>
        %parallel_loop3A_268 = tpu.vector_load_idx %arg8[%parallel_loop3A_267, %parallel_loop3A_238] : memref<4x4096xf32, #tpu.memory_space<vmem>>[vector<16xi32>, vector<16xi32>], vector<16xf32>,
        %parallel_loop3A_269 = arith.constant 16 : i32
        %parallel_loop3A_270 = arith.muli %parallel_loop3A_234, %parallel_loop3A_269 : i32
        %parallel_loop3A_271 = arith.constant 3 : i32
        %parallel_loop3A_272 = arith.index_cast %parallel_loop3A_271 : i32 to index
        %parallel_loop3A_273 = arith.index_cast %parallel_loop3A_270 : i32 to index
        %parallel_loop3A_274 = tpu.vector_load %arg10[%parallel_loop3A_272, %parallel_loop3A_273] {strides = array<i32>} : memref<4x4096xf32, #tpu.memory_space<vmem>>, vector<16xf32>,
        tpu.vector_store %arg10[%parallel_loop3A_272, %parallel_loop3A_273], %parallel_loop3A_268 {strides = array<i32>} : memref<4x4096xf32, #tpu.memory_space<vmem>>, vector<16xf32>,
      } {sc.loop_unroll_factor = 8 : i64, sc.parallel_access}
      %mul3A_180 = arith.constant 4 : i32
      %mul3A_181 = arith.muli %add3A_162, %mul3A_180 : i32
      %add3A_182 = arith.addi %mul3A_32, %mul3A_181 : i32
      %dma_start3A_183 = arith.constant 0 : i32
      %dma_start3A_184 = tpu.memref_slice %arg4[%select_n3A, %add3A_182, %dma_start3A_183] : memref<4x2048x4096xf32, #tpu.memory_space<hbm>> -> memref<1x4x4096xf32, #tpu.memory_space<hbm>>
      %dma_start3A_185 = tpu.memref_squeeze %dma_start3A_184 : memref<1x4x4096xf32, #tpu.memory_space<hbm>> -> memref<4x4096xf32, #tpu.memory_space<hbm>>
      %dma_start3A_186 = arith.constant 0 : i32
      %dma_start3A_187 = tpu.memref_slice %arg4[%select_n3A, %add3A_182, %dma_start3A_186] : memref<4x2048x4096xf32, #tpu.memory_space<hbm>> -> memref<1x4x4096xf32, #tpu.memory_space<hbm>>
      %dma_start3A_188 = tpu.memref_squeeze %dma_start3A_187 : memref<1x4x4096xf32, #tpu.memory_space<hbm>> -> memref<4x4096xf32, #tpu.memory_space<hbm>>
      tpu.enqueue_dma source(%arg10 : memref<4x4096xf32, #tpu.memory_space<vmem>>) target(%dma_start3A_188 : memref<4x4096xf32, #tpu.memory_space<hbm>>) target_semaphore(%arg16 : memref<!tpu.dma_semaphore, #tpu.memory_space<semaphore_mem>>)
      %add3A_189 = arith.constant 4 : i32
      %add3A_190 = arith.addi %add3A_162, %add3A_189 : i32
      %lt3A_191 = arith.constant 64 : i32
      %lt3A_192 = arith.cmpi slt, %add3A_190, %lt3A_191 : i32
      %convert_element_type3A_193 = arith.extui %lt3A_192 : i1 to i32
      %cond3A_194 = arith.constant 0 : i32
      %cond3A_195 = arith.cmpi ne, %convert_element_type3A_193, %cond3A_194 : i32
      scf.if %cond3A_195 {
        %add3A_234 = arith.constant 4 : i32
        %add3A_235 = arith.addi %add3A_162, %add3A_234 : i32
        %mul3A_236 = arith.constant 4 : i32
        %mul3A_237 = arith.muli %add3A_235, %mul3A_236 : i32
        %add3A_238 = arith.addi %mul3A_32, %mul3A_237 : i32
        %dma_start3A_239 = arith.constant 0 : i32
        %dma_start3A_240 = tpu.memref_slice %arg2[%select_n3A, %add3A_238, %dma_start3A_239] : memref<4x2048x4096xf32, #tpu.memory_space<hbm>> -> memref<1x4x4096xf32, #tpu.memory_space<hbm>>
        %dma_start3A_241 = tpu.memref_squeeze %dma_start3A_240 : memref<1x4x4096xf32, #tpu.memory_space<hbm>> -> memref<4x4096xf32, #tpu.memory_space<hbm>>
        %dma_start3A_242 = arith.constant 0 : i32
        %dma_start3A_243 = tpu.memref_slice %arg2[%select_n3A, %add3A_238, %dma_start3A_242] : memref<4x2048x4096xf32, #tpu.memory_space<hbm>> -> memref<1x4x4096xf32, #tpu.memory_space<hbm>>
        %dma_start3A_244 = tpu.memref_squeeze %dma_start3A_243 : memref<1x4x4096xf32, #tpu.memory_space<hbm>> -> memref<4x4096xf32, #tpu.memory_space<hbm>>
        tpu.enqueue_dma source(%dma_start3A_244 : memref<4x4096xf32, #tpu.memory_space<hbm>>) target(%arg8 : memref<4x4096xf32, #tpu.memory_space<vmem>>) target_semaphore(%arg14 : memref<!tpu.dma_semaphore, #tpu.memory_space<semaphore_mem>>)
      } else {
      }
      %mul3A_196 = arith.constant 4 : i32
      %mul3A_197 = arith.muli %scan3A_87, %mul3A_196 : i32
      %add3A_198 = arith.constant 3 : i32
      %add3A_199 = arith.addi %mul3A_197, %add3A_198 : i32
      %dma_wait3A_200 = arith.constant 0 : i32
      %dma_wait3A_201 = arith.constant 0 : i32
      %dma_wait3A_202 = arith.constant 0 : i32
      %dma_wait3A_203 = tpu.memref_slice %arg2[%dma_wait3A_200, %dma_wait3A_201, %dma_wait3A_202] : memref<4x2048x4096xf32, #tpu.memory_space<hbm>> -> memref<1x4x4096xf32, #tpu.memory_space<hbm>>
      %dma_wait3A_204 = tpu.memref_squeeze %dma_wait3A_203 : memref<1x4x4096xf32, #tpu.memory_space<hbm>> -> memref<4x4096xf32, #tpu.memory_space<hbm>>
      %dma_wait3A_205 = arith.constant 0 : i32
      %dma_wait3A_206 = arith.constant 0 : i32
      %dma_wait3A_207 = tpu.memref_slice %arg2[%dma_wait3A_200, %dma_wait3A_205, %dma_wait3A_206] : memref<4x2048x4096xf32, #tpu.memory_space<hbm>> -> memref<1x4x4096xf32, #tpu.memory_space<hbm>>
      %dma_wait3A_208 = tpu.memref_squeeze %dma_wait3A_207 : memref<1x4x4096xf32, #tpu.memory_space<hbm>> -> memref<4x4096xf32, #tpu.memory_space<hbm>>
      tpu.wait_dma2 semaphore(%arg15 : memref<!tpu.dma_semaphore, #tpu.memory_space<semaphore_mem>>) src(%dma_wait3A_208 : memref<4x4096xf32, #tpu.memory_space<hbm>>) dst(%arg9 : memref<4x4096xf32, #tpu.memory_space<vmem>>)
      %ge3A_209 = arith.constant 2 : i32
      %ge3A_210 = arith.cmpi sge, %add3A_199, %ge3A_209 : i32
      %convert_element_type3A_211 = arith.extui %ge3A_210 : i1 to i32
      %cond3A_212 = arith.constant 0 : i32
      %cond3A_213 = arith.cmpi ne, %convert_element_type3A_211, %cond3A_212 : i32
      scf.if %cond3A_213 {
        %dma_wait3A_234 = arith.constant 0 : i32
        %dma_wait3A_235 = arith.constant 0 : i32
        %dma_wait3A_236 = arith.constant 0 : i32
        %dma_wait3A_237 = tpu.memref_slice %arg4[%dma_wait3A_234, %dma_wait3A_235, %dma_wait3A_236] : memref<4x2048x4096xf32, #tpu.memory_space<hbm>> -> memref<1x4x4096xf32, #tpu.memory_space<hbm>>
        %dma_wait3A_238 = tpu.memref_squeeze %dma_wait3A_237 : memref<1x4x4096xf32, #tpu.memory_space<hbm>> -> memref<4x4096xf32, #tpu.memory_space<hbm>>
        %dma_wait3A_239 = arith.constant 0 : i32
        %dma_wait3A_240 = arith.constant 0 : i32
        %dma_wait3A_241 = tpu.memref_slice %arg4[%dma_wait3A_234, %dma_wait3A_239, %dma_wait3A_240] : memref<4x2048x4096xf32, #tpu.memory_space<hbm>> -> memref<1x4x4096xf32, #tpu.memory_space<hbm>>
        %dma_wait3A_242 = tpu.memref_squeeze %dma_wait3A_241 : memref<1x4x4096xf32, #tpu.memory_space<hbm>> -> memref<4x4096xf32, #tpu.memory_space<hbm>>
        tpu.wait_dma2 semaphore(%arg17 : memref<!tpu.dma_semaphore, #tpu.memory_space<semaphore_mem>>) src(%arg11 : memref<4x4096xf32, #tpu.memory_space<vmem>>) dst(%dma_wait3A_242 : memref<4x4096xf32, #tpu.memory_space<hbm>>)
      } else {
      }
      %parallel_loop3A_214 = arith.constant 0 : i32
      %parallel_loop3A_215 = arith.constant 256 : i32
      %parallel_loop3A_216 = arith.constant 1 : i32
      scf.for %parallel_loop3A_234 = %parallel_loop3A_214 to %parallel_loop3A_215 step %parallel_loop3A_216  : i32 {
        %parallel_loop3A_235 = arith.constant 16 : i32
        %parallel_loop3A_236 = arith.muli %parallel_loop3A_234, %parallel_loop3A_235 : i32
        %parallel_loop3A_237 = arith.index_cast %parallel_loop3A_236 : i32 to index
        %parallel_loop3A_238 = tpu.vector_load %arg5[%parallel_loop3A_237] {strides = array<i32>} : memref<4096xi32, #tpu.memory_space<vmem>>, vector<16xi32>,
        %parallel_loop3A_239 = arith.constant 0 : i32
        %parallel_loop3A_240 = vector.broadcast %parallel_loop3A_239 : i32 to vector<16xi32>
        %parallel_loop3A_241 = tpu.vector_load_idx %arg9[%parallel_loop3A_240, %parallel_loop3A_238] : memref<4x4096xf32, #tpu.memory_space<vmem>>[vector<16xi32>, vector<16xi32>], vector<16xf32>,
        %parallel_loop3A_242 = arith.constant 16 : i32
        %parallel_loop3A_243 = arith.muli %parallel_loop3A_234, %parallel_loop3A_242 : i32
        %parallel_loop3A_244 = arith.constant 0 : i32
        %parallel_loop3A_245 = arith.index_cast %parallel_loop3A_244 : i32 to index
        %parallel_loop3A_246 = arith.index_cast %parallel_loop3A_243 : i32 to index
        %parallel_loop3A_247 = tpu.vector_load %arg11[%parallel_loop3A_245, %parallel_loop3A_246] {strides = array<i32>} : memref<4x4096xf32, #tpu.memory_space<vmem>>, vector<16xf32>,
        tpu.vector_store %arg11[%parallel_loop3A_245, %parallel_loop3A_246], %parallel_loop3A_241 {strides = array<i32>} : memref<4x4096xf32, #tpu.memory_space<vmem>>, vector<16xf32>,
        %parallel_loop3A_248 = arith.constant 1 : i32
        %parallel_loop3A_249 = vector.broadcast %parallel_loop3A_248 : i32 to vector<16xi32>
        %parallel_loop3A_250 = tpu.vector_load_idx %arg9[%parallel_loop3A_249, %parallel_loop3A_238] : memref<4x4096xf32, #tpu.memory_space<vmem>>[vector<16xi32>, vector<16xi32>], vector<16xf32>,
        %parallel_loop3A_251 = arith.constant 16 : i32
        %parallel_loop3A_252 = arith.muli %parallel_loop3A_234, %parallel_loop3A_251 : i32
        %parallel_loop3A_253 = arith.constant 1 : i32
        %parallel_loop3A_254 = arith.index_cast %parallel_loop3A_253 : i32 to index
        %parallel_loop3A_255 = arith.index_cast %parallel_loop3A_252 : i32 to index
        %parallel_loop3A_256 = tpu.vector_load %arg11[%parallel_loop3A_254, %parallel_loop3A_255] {strides = array<i32>} : memref<4x4096xf32, #tpu.memory_space<vmem>>, vector<16xf32>,
        tpu.vector_store %arg11[%parallel_loop3A_254, %parallel_loop3A_255], %parallel_loop3A_250 {strides = array<i32>} : memref<4x4096xf32, #tpu.memory_space<vmem>>, vector<16xf32>,
        %parallel_loop3A_257 = arith.constant 2 : i32
        %parallel_loop3A_258 = vector.broadcast %parallel_loop3A_257 : i32 to vector<16xi32>
        %parallel_loop3A_259 = tpu.vector_load_idx %arg9[%parallel_loop3A_258, %parallel_loop3A_238] : memref<4x4096xf32, #tpu.memory_space<vmem>>[vector<16xi32>, vector<16xi32>], vector<16xf32>,
        %parallel_loop3A_260 = arith.constant 16 : i32
        %parallel_loop3A_261 = arith.muli %parallel_loop3A_234, %parallel_loop3A_260 : i32
        %parallel_loop3A_262 = arith.constant 2 : i32
        %parallel_loop3A_263 = arith.index_cast %parallel_loop3A_262 : i32 to index
        %parallel_loop3A_264 = arith.index_cast %parallel_loop3A_261 : i32 to index
        %parallel_loop3A_265 = tpu.vector_load %arg11[%parallel_loop3A_263, %parallel_loop3A_264] {strides = array<i32>} : memref<4x4096xf32, #tpu.memory_space<vmem>>, vector<16xf32>,
        tpu.vector_store %arg11[%parallel_loop3A_263, %parallel_loop3A_264], %parallel_loop3A_259 {strides = array<i32>} : memref<4x4096xf32, #tpu.memory_space<vmem>>, vector<16xf32>,
        %parallel_loop3A_266 = arith.constant 3 : i32
        %parallel_loop3A_267 = vector.broadcast %parallel_loop3A_266 : i32 to vector<16xi32>
        %parallel_loop3A_268 = tpu.vector_load_idx %arg9[%parallel_loop3A_267, %parallel_loop3A_238] : memref<4x4096xf32, #tpu.memory_space<vmem>>[vector<16xi32>, vector<16xi32>], vector<16xf32>,
        %parallel_loop3A_269 = arith.constant 16 : i32
        %parallel_loop3A_270 = arith.muli %parallel_loop3A_234, %parallel_loop3A_269 : i32
        %parallel_loop3A_271 = arith.constant 3 : i32
        %parallel_loop3A_272 = arith.index_cast %parallel_loop3A_271 : i32 to index
        %parallel_loop3A_273 = arith.index_cast %parallel_loop3A_270 : i32 to index
        %parallel_loop3A_274 = tpu.vector_load %arg11[%parallel_loop3A_272, %parallel_loop3A_273] {strides = array<i32>} : memref<4x4096xf32, #tpu.memory_space<vmem>>, vector<16xf32>,
        tpu.vector_store %arg11[%parallel_loop3A_272, %parallel_loop3A_273], %parallel_loop3A_268 {strides = array<i32>} : memref<4x4096xf32, #tpu.memory_space<vmem>>, vector<16xf32>,
      } {sc.loop_unroll_factor = 8 : i64, sc.parallel_access}
      %mul3A_217 = arith.constant 4 : i32
      %mul3A_218 = arith.muli %add3A_199, %mul3A_217 : i32
      %add3A_219 = arith.addi %mul3A_32, %mul3A_218 : i32
      %dma_start3A_220 = arith.constant 0 : i32
      %dma_start3A_221 = tpu.memref_slice %arg4[%select_n3A, %add3A_219, %dma_start3A_220] : memref<4x2048x4096xf32, #tpu.memory_space<hbm>> -> memref<1x4x4096xf32, #tpu.memory_space<hbm>>
      %dma_start3A_222 = tpu.memref_squeeze %dma_start3A_221 : memref<1x4x4096xf32, #tpu.memory_space<hbm>> -> memref<4x4096xf32, #tpu.memory_space<hbm>>
      %dma_start3A_223 = arith.constant 0 : i32
      %dma_start3A_224 = tpu.memref_slice %arg4[%select_n3A, %add3A_219, %dma_start3A_223] : memref<4x2048x4096xf32, #tpu.memory_space<hbm>> -> memref<1x4x4096xf32, #tpu.memory_space<hbm>>
      %dma_start3A_225 = tpu.memref_squeeze %dma_start3A_224 : memref<1x4x4096xf32, #tpu.memory_space<hbm>> -> memref<4x4096xf32, #tpu.memory_space<hbm>>
      tpu.enqueue_dma source(%arg11 : memref<4x4096xf32, #tpu.memory_space<vmem>>) target(%dma_start3A_225 : memref<4x4096xf32, #tpu.memory_space<hbm>>) target_semaphore(%arg17 : memref<!tpu.dma_semaphore, #tpu.memory_space<semaphore_mem>>)
      %add3A_226 = arith.constant 4 : i32
      %add3A_227 = arith.addi %add3A_199, %add3A_226 : i32
      %lt3A_228 = arith.constant 64 : i32
      %lt3A_229 = arith.cmpi slt, %add3A_227, %lt3A_228 : i32
      %convert_element_type3A_230 = arith.extui %lt3A_229 : i1 to i32
      %cond3A_231 = arith.constant 0 : i32
      %cond3A_232 = arith.cmpi ne, %convert_element_type3A_230, %cond3A_231 : i32
      scf.if %cond3A_232 {
        %add3A_234 = arith.constant 4 : i32
        %add3A_235 = arith.addi %add3A_199, %add3A_234 : i32
        %mul3A_236 = arith.constant 4 : i32
        %mul3A_237 = arith.muli %add3A_235, %mul3A_236 : i32
        %add3A_238 = arith.addi %mul3A_32, %mul3A_237 : i32
        %dma_start3A_239 = arith.constant 0 : i32
        %dma_start3A_240 = tpu.memref_slice %arg2[%select_n3A, %add3A_238, %dma_start3A_239] : memref<4x2048x4096xf32, #tpu.memory_space<hbm>> -> memref<1x4x4096xf32, #tpu.memory_space<hbm>>
        %dma_start3A_241 = tpu.memref_squeeze %dma_start3A_240 : memref<1x4x4096xf32, #tpu.memory_space<hbm>> -> memref<4x4096xf32, #tpu.memory_space<hbm>>
        %dma_start3A_242 = arith.constant 0 : i32
        %dma_start3A_243 = tpu.memref_slice %arg2[%select_n3A, %add3A_238, %dma_start3A_242] : memref<4x2048x4096xf32, #tpu.memory_space<hbm>> -> memref<1x4x4096xf32, #tpu.memory_space<hbm>>
        %dma_start3A_244 = tpu.memref_squeeze %dma_start3A_243 : memref<1x4x4096xf32, #tpu.memory_space<hbm>> -> memref<4x4096xf32, #tpu.memory_space<hbm>>
        tpu.enqueue_dma source(%dma_start3A_244 : memref<4x4096xf32, #tpu.memory_space<hbm>>) target(%arg9 : memref<4x4096xf32, #tpu.memory_space<vmem>>) target_semaphore(%arg15 : memref<!tpu.dma_semaphore, #tpu.memory_space<semaphore_mem>>)
      } else {
      }
      %scan3A_233 = arith.constant 0 : i32
      scf.yield %scan3A_233 : i32
    }
    %scan3A_69 = arith.constant 16 : i32
    %dma_wait3A = arith.constant 0 : i32
    %dma_wait3A_70 = arith.constant 0 : i32
    %dma_wait3A_71 = arith.constant 0 : i32
    %dma_wait3A_72 = tpu.memref_slice %arg4[%dma_wait3A, %dma_wait3A_70, %dma_wait3A_71] : memref<4x2048x4096xf32, #tpu.memory_space<hbm>> -> memref<1x4x4096xf32, #tpu.memory_space<hbm>>
    %dma_wait3A_73 = tpu.memref_squeeze %dma_wait3A_72 : memref<1x4x4096xf32, #tpu.memory_space<hbm>> -> memref<4x4096xf32, #tpu.memory_space<hbm>>
    %dma_wait3A_74 = arith.constant 0 : i32
    %dma_wait3A_75 = arith.constant 0 : i32
    %dma_wait3A_76 = tpu.memref_slice %arg4[%dma_wait3A, %dma_wait3A_74, %dma_wait3A_75] : memref<4x2048x4096xf32, #tpu.memory_space<hbm>> -> memref<1x4x4096xf32, #tpu.memory_space<hbm>>
    %dma_wait3A_77 = tpu.memref_squeeze %dma_wait3A_76 : memref<1x4x4096xf32, #tpu.memory_space<hbm>> -> memref<4x4096xf32, #tpu.memory_space<hbm>>
    tpu.wait_dma2 semaphore(%arg16 : memref<!tpu.dma_semaphore, #tpu.memory_space<semaphore_mem>>) src(%arg10 : memref<4x4096xf32, #tpu.memory_space<vmem>>) dst(%dma_wait3A_77 : memref<4x4096xf32, #tpu.memory_space<hbm>>)
    %dma_wait3A_78 = arith.constant 0 : i32
    %dma_wait3A_79 = arith.constant 0 : i32
    %dma_wait3A_80 = arith.constant 0 : i32
    %dma_wait3A_81 = tpu.memref_slice %arg4[%dma_wait3A_78, %dma_wait3A_79, %dma_wait3A_80] : memref<4x2048x4096xf32, #tpu.memory_space<hbm>> -> memref<1x4x4096xf32, #tpu.memory_space<hbm>>
    %dma_wait3A_82 = tpu.memref_squeeze %dma_wait3A_81 : memref<1x4x4096xf32, #tpu.memory_space<hbm>> -> memref<4x4096xf32, #tpu.memory_space<hbm>>
    %dma_wait3A_83 = arith.constant 0 : i32
    %dma_wait3A_84 = arith.constant 0 : i32
    %dma_wait3A_85 = tpu.memref_slice %arg4[%dma_wait3A_78, %dma_wait3A_83, %dma_wait3A_84] : memref<4x2048x4096xf32, #tpu.memory_space<hbm>> -> memref<1x4x4096xf32, #tpu.memory_space<hbm>>
    %dma_wait3A_86 = tpu.memref_squeeze %dma_wait3A_85 : memref<1x4x4096xf32, #tpu.memory_space<hbm>> -> memref<4x4096xf32, #tpu.memory_space<hbm>>
    tpu.wait_dma2 semaphore(%arg17 : memref<!tpu.dma_semaphore, #tpu.memory_space<semaphore_mem>>) src(%arg11 : memref<4x4096xf32, #tpu.memory_space<vmem>>) dst(%dma_wait3A_86 : memref<4x4096xf32, #tpu.memory_space<hbm>>)
    return
  }
}

</mosaic_0001>

<sc_bundles>
// kernel: kernel.3.cloned.1.call-start
scs
__scs_entry_jumppad:
0x0: {  	(pc) =	sbr.rel $0x88, $3  }
0x1: {  	(tag) =	ssettag $0x0;
	lr =	simm.s32 $0x1  }
0x2: {  	[smem:$0x3F9F] =	sst lr;
	_ =	strace $0xD0000000  }
0x3: {  	_ = 	snop  }
0x4: {  	_ = 	snop  }
0x5: {  	_ = 	snop  }
0x6: {  	_ = 	snop  }
0x7: {  	_ = 	snop  }
__scs_overlays_trampoline_lowered:
0x8: {  	[smem:$0x3FAE] =	sst s0  }
0x9: {  	[smem:$0x3FAF] =	sst s1  }
0xa: {  	[smem:$0x3FB0] =	sst s2  }
0xb: {  	[smem:$0x3FB1] =	sst s3  }
0xc: {  	[smem:$0x3FB2] =	sst s4  }
0xd: {  	[smem:$0x3FB3] =	sst s5  }
0xe: {  	[smem:$0x3FB4] =	sst s6  }
0xf: {  	[smem:$0x3FB5] =	sst s7  }
0x10: {  	[smem:$0x3FB6] =	sst s8  }
0x11: {  	[smem:$0x3FB7] =	sst s9;
	s0 =	simm.s32 @!p0 $0x0  }
0x12: {  	s1 =	sld [smem:$0x3F9D];
	s0 =	simm.s32 @p0 $0x1  }
0x13: {  	[smem:$0x3FB8] =	sst s0;
	s0 =	simm.s32 @!p1 $0x0  }
0x14: {  	s2 =	sld [smem:$0x3F9C];
	s0 =	simm.s32 @p1 $0x1  }
0x15: {  	[smem:$0x3FB9] =	sst s0;
	s0 =	simm.s32 @!p2 $0x0  }
0x16: {  	s3 =	sld [smem:$0x3FDB];
	s0 =	simm.s32 @p2 $0x1  }
0x17: {  	s4 =	simm.s32 $0x1BF5;
	[smem:$0x3FBB] =	sst s0  }
0x18: {  	s0 =	sld [smem:$0x3F9E];
	_ =	swait.ge [sflag:s4], $0x0  }
0x19: {  	s7 =	sld [smem:$0x3F9F]  }
0x1a: {  	s8 =	sadd.s32 $0xFFFFE003, lr  }
0x1b: {  	s9 =	sadd.s32 $0xFFFFFEF7, lr;
	s5 =	simm.s32 $0xFFFFFFFF;
	p2 =	slt.u32 s8, $0xFFFFF086  }
0x1c: {  	p1 =	slt.u32 s9, $0xF7A;
	s5 =	simm.s32 @!p2 $0x0  }
0x1d: {  	s5 =	simm.s32 @p1 $0x1;
	p0 =	seq.s32 s7, s2  }
0x1e: {  	s7 =	smul.u32 @!p0 $0xF7A, s2;
	p2 =	seq.s32 @!p0 s5, $0x0  }
0x1f: {  	s9 =	smul.u32 $0xF7A, s1;
	s8 =	simm.s32 @!p0 $0x1BF5;
	p2 =	por !p2, p0  }
0x20: {  	[sflag:s8] =	ssyncset.s32 @!p0 $0xFFFFF086;
	s6 =	sadd.s32 @!p0 s3, s7;
	s7 =	simm.s32 @!p0 $0x108  }
0x21: {  	s3 =	sadd.s32 s3, s9;
	s6 =	sadd.s32 @!p0 $0x88, s6;
	s7 =	simm.s32 @p2 $0x1082  }
0x22: {  	[simem:s7], [sflag:s8] =	dma.local @!p0 [hbm:s6], $0xF7A  }
0x23: {  	s9 =	sor.u32 $0xD0000000, s2;
	s6 =	simm.s32 $0x108;
	_ =	swait.ge @!p0 [sflag:s8], $0x0  }
0x24: {  	s3 =	sadd.s32 $0x88, s3;
	s6 =	simm.s32 @!p1 $0x1082;
	[sflag:s4] =	ssyncset.s32 $0xFFFFF086  }
0x25: {  	[simem:s6], [sflag:s4] =	dma.local [hbm:s3], $0xF7A  }
0x26: {  	[smem:$0x3F9F] =	sst s1;
	(tag) =	ssettag s2;
	_ =	strace s9  }
0x27: {  	s1 =	sld [smem:$0x3FAF]  }
0x28: {  	s2 =	sld [smem:$0x3FB0]  }
0x29: {  	s4 =	sld [smem:$0x3FB2]  }
0x2a: {  	p0 =	seq.s32 s5, $0x0;
	s5 =	sld [smem:$0x3FB3]  }
0x2b: {  	s6 =	sld [smem:$0x3FB4]  }
0x2c: {  	s7 =	sld [smem:$0x3FB5]  }
0x2d: {  	s3 =	simm.s32 $0x108;
	s8 =	sld [smem:$0x3FB6]  }
0x2e: {  	s3 =	simm.s32 @!p0 $0x1082;
	s9 =	sld [smem:$0x3FB7]  }
0x2f: {  	lr =	sadd.s32 s0, s3;
	s0 =	sld [smem:$0x3FAE]  }
0x30: {  	s3 =	sld [smem:$0x3FB1]  }
0x31: {  	[smem:$0x3FBA] =	sst s10  }
0x32: {  	s10 =	sld [smem:$0x3FB8];
	_ =	sdelay $0x3  }
0x33: {  	p0 =	seq.s32 s10, $0x1;
	s10 =	sld [smem:$0x3FBA];
	_ =	sdelay $0x3  }
0x34: {  	[smem:$0x3FBA] =	sst s10  }
0x35: {  	s10 =	sld [smem:$0x3FB9];
	_ =	sdelay $0x3  }
0x36: {  	p1 =	seq.s32 s10, $0x1;
	s10 =	sld [smem:$0x3FBA];
	_ =	sdelay $0x3  }
0x37: {  	[smem:$0x3FBA] =	sst s10  }
0x38: {  	s10 =	sld [smem:$0x3FBB]  }
0x39: {  	_ = 	snop;
	(pc) =	sbr.ind lr, $3  }
0x3a: {  	_ = 	snop  }
0x3b: {  	_ = 	snop  }
0x3c: {  	p2 =	seq.s32 s10, $0x1;
	s10 =	sld [smem:$0x3FBA]  }
0x3d: {  	_ =	shalt  }
0x3e: {  	_ =	shalt  }
0x3f: {  	_ =	shalt  }
0x40: {  	_ =	shalt  }
0x41: {  	_ =	shalt  }
0x42: {  	_ =	shalt  }
0x43: {  	_ =	shalt  }
0x44: {  	_ =	shalt  }
0x45: {  	_ =	shalt  }
0x46: {  	_ =	shalt  }
0x47: {  	_ =	shalt  }
0x48: {  	_ =	shalt  }
0x49: {  	_ =	shalt  }
0x4a: {  	_ =	shalt  }
0x4b: {  	_ =	shalt  }
0x4c: {  	_ =	shalt  }
0x4d: {  	_ =	shalt  }
0x4e: {  	_ =	shalt  }
0x4f: {  	_ =	shalt  }
0x50: {  	_ =	shalt  }
0x51: {  	_ =	shalt  }
0x52: {  	_ =	shalt  }
0x53: {  	_ =	shalt  }
0x54: {  	_ =	shalt  }
0x55: {  	_ =	shalt  }
0x56: {  	_ =	shalt  }
0x57: {  	_ =	shalt  }
0x58: {  	_ =	shalt  }
0x59: {  	_ =	shalt  }
0x5a: {  	_ =	shalt  }
0x5b: {  	_ =	shalt  }
0x5c: {  	_ =	shalt  }
0x5d: {  	_ =	shalt  }
0x5e: {  	_ =	shalt  }
0x5f: {  	_ =	shalt  }
0x60: {  	_ =	shalt  }
0x61: {  	_ =	shalt  }
0x62: {  	_ =	shalt  }
0x63: {  	_ =	shalt  }
0x64: {  	_ =	shalt  }
0x65: {  	_ =	shalt  }
0x66: {  	_ =	shalt  }
0x67: {  	_ =	shalt  }
0x68: {  	_ =	shalt  }
0x69: {  	_ =	shalt  }
0x6a: {  	_ =	shalt  }
0x6b: {  	_ =	shalt  }
0x6c: {  	_ =	shalt  }
0x6d: {  	_ =	shalt  }
0x6e: {  	_ =	shalt  }
0x6f: {  	_ =	shalt  }
0x70: {  	_ =	shalt  }
0x71: {  	_ =	shalt  }
0x72: {  	_ =	shalt  }
0x73: {  	_ =	shalt  }
0x74: {  	_ =	shalt  }
0x75: {  	_ =	shalt  }
0x76: {  	_ =	shalt  }
0x77: {  	_ =	shalt  }
0x78: {  	_ =	shalt  }
0x79: {  	_ =	shalt  }
0x7a: {  	_ =	shalt  }
0x7b: {  	_ =	shalt  }
0x7c: {  	_ =	shalt  }
0x7d: {  	_ =	shalt  }
0x7e: {  	_ =	shalt  }
0x7f: {  	_ =	shalt  }
0x80: {  	_ =	shalt  }
0x81: {  	_ =	shalt  }
0x82: {  	_ =	shalt  }
0x83: {  	_ =	shalt  }
0x84: {  	_ =	shalt  }
0x85: {  	_ =	shalt  }
0x86: {  	_ =	shalt  }
0x87: {  	_ =	shalt  }
.Lfunc_end0:
.L_simem_size_0:
called_computation_lowered:
.L_overlay_start_0:
0x88: {  	s2 =	sld [smem:$0x3FD9]  }
0x89: {  	s3 =	sld [smem:$0x3FFE];
	_ =	sdelay $0x1  }
0x8a: {  	s1 =	srdreg.scid  }
0x8b: {  	s0 =	sand.u32 $0x1, s1  }
0x8c: {  	s18 =	sshll.u32 s0, $0xA;
	s2 =	sadd.s32 s3, s2  }
0x8d: {  	s2 =	sadd.s32 s2, s18  }
0x8e: {  	[smem:$0x3FC6] =	sst s2  }
0x8f: {  	_ = 	snop  }
0x90: {  	s2 =	sld [smem:$0x3FC9]  }
0x91: {  	s19 =	sld [smem:$0x3FC8]  }
0x92: {  	s4 =	sld [smem:$0x3FD0];
	(tm) =	ssettm $0x1  }
0x93: {  	s5 =	sld [smem:$0x3FFB];
	_ =	sdelay $0x3  }
0x94: {  	_ =	strace s5  }
0x95: {  	s5 =	sld [smem:$0x3FFC];
	_ =	sdelay $0x3  }
0x96: {  	_ =	strace s5  }
0x97: {  	s5 =	sld [smem:$0x3FFD];
	_ =	sdelay $0x3  }
0x98: {  	_ =	strace s5  }
0x99: {  	_ =	strace $0x8FFFFFFF  }
0x9a: {  	s20 =	sld [smem:$0x3FDB];
	_ =	sdelay $0x1  }
0x9b: {  	s6 =	simm.s32 $_scs_section_size  }
0x9c: {  	s7 =	simm.s32 $_size__tile_overlayer_lowered;
	s8 =	simm.s32 $_tile_overlayer_lowered  }
0x9d: {  	s23 =	simm.s32 $0x1BFF;
	s22 =	sshll.u32 s8, $0x1;
	s5 =	sadd.s32 s6, s20  }
0x9e: {  	s9 =	simm.s32 $0x0;
	s21 =	sshll.u32 s7, $0x1;
	s7 =	sadd.s32 s22, s5  }
0x9f: {  	[timem:s9], [sflag:s23] =	dma.local [hbm:s7], s21  }
0xa0: {  	_ =	swait.ge [sflag:s23], s21  }
0xa1: {  	s6 =	ssub.s32 $0x0, s21;
	[sflag:s23] =	ssyncset.done $0x0  }
0xa2: {  	[sflag:s23] =	ssyncadd.s32 s6;
	_ =	sdelay $0x1  }
0xa3: {  	s24 =	simm.s32 $0x1B8B  }
0xa4: {  	_ =	swait.ge [sflag:s24], $0x1  }
0xa5: {  	[sflag:s24] =	ssyncset.done $0x0  }
0xa6: {  	s25 =	simm.s32 $0x1B8E;
	[sflag:s24] =	ssyncadd.s32 $0xFFFFFFFF  }
0xa7: {  	s26 =	simm.s32 $execute0_lowered;
	[smem:$0x3FD2] =	sst s25  }
0xa8: {  	s6 =	sshll.u32 s26, $0x1;
	_ =	strace $0x80000046;
	[dreg:$0x1] =	wrdreg $0xFFFFFFFF  }
0xa9: {  	s28 =	simm.s32 $_size_execute0_lowered;
	s5 =	sadd.s32 s5, s6;
	[dreg:$0x0] =	wrdreg $0x0  }
0xaa: {  	s6 =	sshll.u32 s28, $0x1;
	[dreg:$0x2] =	wrdreg s5  }
0xab: {  	[dreg:$0x3] =	wrdreg s6  }
0xac: {  	[dreg:$0x4] =	wrdreg $0xC0  }
0xad: {  	_ =	task [dreg:s9], $0x5FFFF  }
0xae: {  	[dreg:$0x1] =	wrdreg $0xFFFFFFFF  }
0xaf: {  	[dreg:$0x0] =	wrdreg $0x60  }
0xb0: {  	[dreg:$0x2] =	wrdreg s2  }
0xb1: {  	[dreg:$0x3] =	wrdreg s19  }
0xb2: {  	[dreg:$0x4] =	wrdreg s4  }
0xb3: {  	[dreg:$0x5] =	wrdreg $0x9  }
0xb4: {  	_ =	task.clear_ibuf [dreg:s9], $0x6FFFF;
	_ =	strace $0x90000046  }
0xb5: {  	s29 =	simm.s32 $0x9;
	_ =	strace $0x80000048  }
0xb6: {  	_ =	swait.ge [sflag:s29], $0x1  }
0xb7: {  	[sflag:s29] =	ssyncadd.s32 $0xFFFFFFFF  }
0xb8: {  	_ =	strace $0x90000048  }
0xb9: {  	_ =	sfence  }
0xba: {  	s30 =	sld [smem:$0x0];
	_ =	sdelay $0x2  }
0xbb: {  	s31 =	sshll.u32 s1, $0xD;
	s1 =	sshrl.u32 s1, $0x2  }
0xbc: {  	s3 =	sand.u32 $0x4000, s31;
	s1 =	sadd.s32 s1, s30  }
0xbd: {  	s0 =	sor.u32 s3, s0;
	s1 =	sshll.u32 s1, $0x11  }
0xbe: {  	s0 =	sor.u32 s1, s0  }
0xbf: {  	s0 =	sadd.s32 $0x8F2B, s0  }
0xc0: {  	[sflag:s0] =	ssyncadd.remote.s32 $0x1  }
0xc1: {  	_ =	sfence.sel $0xFFFF  }
0xc2: {  	[dreg:$0x0] =	wrdreg $0xFFFFFFFF;
	(pc) =	sbr.abs _section_cstart, $3  }
0xc3: {  	[dreg:$0x1] =	wrdreg $0xFFFFFFFF  }
0xc4: {  	_ =	task.clear_ibuf [dreg:s9], $0x2FFFF;
	_ =	strace $0x9FFFFFFF  }
0xc5: {  	(tm) =	ssettm $0x7FFFFFFF  }
tec
execute0_lowered:
.L_overlay_start_1:
0x0: {  	(tag) =	ssettag $0x1  }
0x1: {  	s2 =	rddreg [dreg:$0x0];
	s3 =	stileid.u32  }
0x2: {  	s4 =	rddreg [dreg:$0x2];
	s0 =	srdreg.scid  }
0x3: {  	s5 =	simm.s32 $0x0;
	s17 =	simm.s32 $0x7;
	s18 =	simm.s32 $0x200  }
0x4: {  	s19 =	simm.s32 $0x400;
	s20 =	simm.s32 $0x1000;
	s21 =	simm.s32 $0x5000  }
0x5: {  	s28 =	simm.s32 $0x6;
	s29 =	simm.s32 $0x15000;
	s30 =	simm.s32 $0x3  }
0x6: {  	s31 =	simm.s32 $0x5;
	s1 =	sshll.u32 s3, $0x1;
	s0 =	sand.u32 $0x1, s0  }
0x7: {  	s3 =	sshll.u32 s3, $0x15;
	[smem:$0x7FF] =	sst s5;
	s1 =	sand.u32 $0x6, s1  }
0x8: {  	s8 =	sadd.s32 $0x40, s2;
	s14 =	sadd.s32 $0x40, s4;
	s1 =	sor.u32 s0, s1  }
0x9: {  	s3 =	sand.u32 $0x1800000, s3;
	s0 =	ssub.s32 $0x2, s0;
	s1 =	sshll.u32 s1, $0x14  }
0xa: {  	_ =	strace $0x80000047;
	s22 =	sshrl.u32 s0, $0x1;
	s6 =	sor.u32 s3, s1  }
0xb: {  	s0 =	ssub.s32 s0, s22;
	s22 =	simm.s32 $0x9000;
	s1 =	sshrl.u32 s6, $0x3  }
0xc: {  	s12 =	sor.u32 $0x8000, s6;
	s13 =	sor.u32 $0x10000, s6;
	s0 =	smax.u32 s0, $0x1  }
0xd: {  	s23 =	sadd.s32 s2, s1;
	s24 =	sor.u32 $0x1000, s1;
	[dreg:$0x8] =	wrdreg s0  }
.Ltmp0:
0xe: {  	s1 =	sadd.s32 s1, s8;
	[dreg:$0x4] =	wrdreg s23;
	(pc) =	sbr.rel .LBB2_1-.Ltmp0, $4  }
0xf: {  	s15 =	sor.u32 $0x18000, s6;
	s0 =	simm.s32 $0x0;
	[dreg:$0x5] =	wrdreg s1  }
0x10: {  	s25 =	sadd.s32 s2, s24;
	s26 =	sadd.s32 s24, s8;
	s23 =	simm.s32 $0xD000  }
0x11: {  	s24 =	simm.s32 $0x1;
	s1 =	simm.s32 $0x4;
	[dreg:$0x6] =	wrdreg s25  }
0x12: {  	[dreg:$0x7] =	wrdreg s26;
	s25 =	simm.s32 $0x11000;
	s26 =	simm.s32 $0x2  }
.LBB2_16:
0x13: {  	_ =	swait.ge [sflag:s31], $0x4000  }
0x14: {  	[sflag:s31] =	ssyncset.done $0x0  }
0x15: {  	[sflag:s31] =	ssyncadd.s32 $0xFFFFC000  }
0x16: {  	_ =	swait.ge [sflag:s28], $0x4000  }
0x17: {  	s0 =	sadd.s32 $0x1, s0;
	s3 =	rddreg [dreg:$0x8]  }
0x18: {  	p0 =	sne.s32 s0, s3  }
.Ltmp1:
0x19: {  	_ = 	snop;
	(pc) =	sbr.rel @!p0 .LBB2_17-.Ltmp1, $3  }
0x1a: {  	_ =	sdelay $0x1  }
0x1b: {  	[sflag:s28] =	ssyncset.done $0x0  }
0x1c: {  	[sflag:s28] =	ssyncadd.s32 $0xFFFFC000  }
.LBB2_1:
0x1d: {  	s3 =	rddreg [dreg:$0x1];
	s5 =	simm.s32 $0x0  }
0x1e: {  	[tilespmem:s5], [sflag:$0x7] =	stream.linear.gather [hbm4b:s3+s5], $0x1000, $0x38;
	[tilespmem:$0x19000] =	vst v63  }
0x1f: {  	_ =	swait.ge [sflag:s17], $0x1000  }
0x20: {  	[sflag:s17] =	ssyncset.done $0x0  }
0x21: {  	s9 =	rddreg [dreg:$0x4];
	[sflag:s17] =	ssyncadd.s32 $0xFFFFF000  }
0x22: {  	[tilespmem:s20], [sflag:$0x1] =	stream.strided.gather [hbm4b:s9+s18], $0x4000, s19, s18, $0x38;
	[tilespmem:$0x19000] =	vst v63  }
0x23: {  	s10 =	rddreg [dreg:$0x5]  }
0x24: {  	[tilespmem:s21], [sflag:$0x2] =	stream.strided.gather [hbm4b:s10+s18], $0x4000, s19, s18, $0x38;
	[tilespmem:$0x19000] =	vst v63  }
0x25: {  	s11 =	rddreg [dreg:$0x6]  }
0x26: {  	[tilespmem:s22], [sflag:$0x3] =	stream.strided.gather [hbm4b:s11+s18], $0x4000, s19, s18, $0x38;
	[tilespmem:$0x19000] =	vst v63  }
0x27: {  	s3 =	simm.s32 $0x0;
	s16 =	rddreg [dreg:$0x7]  }
0x28: {  	[tilespmem:s23], [sflag:$0x4] =	stream.strided.gather [hbm4b:s16+s18], $0x4000, s19, s18, $0x38;
	[tilespmem:$0x19000] =	vst v63  }
.LBB2_2:
0x29: {  	_ =	swait.ge [sflag:s24], $0x4000  }
0x2a: {  	p0 =	seq.s32 s3, $0x0;
	[sflag:s24] =	ssyncset.done $0x0  }
0x2b: {  	s5 =	simm.s32 @!p0 $0x5;
	[sflag:s24] =	ssyncadd.s32 $0xFFFFC000  }
0x2c: {  	_ =	swait.ge @!p0 [sflag:s5], $0x4000  }
0x2d: {  	[sflag:s5] =	ssyncset.done @!p0 $0x0  }
0x2e: {  	s16 =	simm.s32 $0x40;
	[sflag:s5] =	ssyncadd.s32 @!p0 $0xFFFFC000  }
0x2f: {  	v0 =	vld [tilespmem:s16+$0xFFFFFFC0]  }
0x30: {  	v1 =	vld [tilespmem:s16+$0x10]  }
0x31: {  	v3 =	vld [tilespmem:s16+$0xFFFFFFE0]  }
0x32: {  	v2 =	vld [tilespmem:s16+$0x0];
	_ =	sdelay $0x1  }
0x33: {  	v6 =	vld [tilespmem:s16+$0x20]  }
0x34: {  	v7 =	vld [tilespmem:s16+$0xFFFFFFF0];
	v4 =	vshll.u32 v0, $0x2;
	v0 =	vand.u32 $0x7F, v0;
	v5 =	vshll.u32 v1, $0x2  }
0x35: {  	v1 =	vand.u32 $0x7F, v1;
	v9 =	vshll.u32 v3, $0x2;
	v4 =	vand.u32 $0xFFFFFE00, v4  }
0x36: {  	v8 =	vld [tilespmem:s16+$0xFFFFFFD0];
	v3 =	vand.u32 $0x7F, v3;
	v4 =	vor.u32 v0, v4;
	v0 =	vshll.u32 v2, $0x2  }
0x37: {  	v5 =	vand.u32 $0xFFFFFE00, v5;
	v2 =	vand.u32 $0x7F, v2;
	v0 =	vand.u32 $0xFFFFFE00, v0  }
0x38: {  	v5 =	vor.u32 v1, v5;
	v0 =	vor.u32 v2, v0;
	v2 =	vand.u32 $0xFFFFFE00, v9;
	v9 =	vld [tilespmem:s16+$0x30]  }
0x39: {  	v11 =	vand.u32 $0x7F, v7;
	v2 =	vor.u32 v3, v2;
	v3 =	vshll.u32 v6, $0x2  }
0x3a: {  	v1 =	vand.u32 $0x7F, v6;
	v12 =	vor.u32 $0x80, v4;
	v3 =	vand.u32 $0xFFFFFE00, v3  }
0x3b: {  	v6 =	vshll.u32 v7, $0x2;
	v10 =	vld.idx.msk [tilespmem:v4+s20+$0x0], $0xffff;
	v1 =	vor.u32 v1, v3;
	v3 =	vshll.u32 v8, $0x2  }
0x3c: {  	v6 =	vand.u32 $0xFFFFFE00, v6;
	v8 =	vand.u32 $0x7F, v8;
	v3 =	vand.u32 $0xFFFFFE00, v3  }
0x3d: {  	v6 =	vor.u32 v11, v6;
	v17 =	vld.idx.msk [tilespmem:v5+s20+$0x0], $0xffff;
	v7 =	vor.u32 v8, v3;
	v3 =	vshll.u32 v9, $0x2  }
0x3e: {  	v13 =	vld.idx.msk [tilespmem:v0+s20+$0x0], $0xffff;
	v8 =	vand.u32 $0x7F, v9;
	v3 =	vand.u32 $0xFFFFFE00, v3  }
0x3f: {  	s9 =	simm.s32 $0x11100;
	v11 =	vld.idx.msk [tilespmem:v2+s20+$0x0], $0xffff;
	v3 =	vor.u32 v8, v3  }
0x40: {  	v20 =	vor.u32 $0x80, v0;
	[tilespmem:s9+$0xFFFFFF00] =	vst v10;
	v9 =	vld.idx.msk [tilespmem:v1+s20+$0x0], $0xffff  }
0x41: {  	v18 =	vld.idx.msk [tilespmem:v12+s20+$0x0], $0xffff;
	v12 =	vor.u32 $0x80, v5  }
0x42: {  	s7 =	simm.s32 $0x0;
	v15 =	vor.u32 $0x80, v2;
	v16 =	vld.idx.msk [tilespmem:v6+s20+$0x0], $0xffff  }
0x43: {  	s10 =	simm.s32 $0xC0;
	s11 =	simm.s32 $0x11100;
	s5 =	sshll.u32 s3, $0x10;
	v14 =	vor.u32 $0x80, v7;
	v8 =	vor.u32 $0x80, v3;
	v10 =	vor.u32 $0x80, v1;
	v19 =	vld.idx.msk [tilespmem:v7+s20+$0x0], $0xffff  }
.LBB2_3:
0x44: {  	s7 =	sadd.s32 $0x8, s7;
	[tilespmem:s9+$0xFFFFFF40] =	vst v13;
	v13 =	vld.idx.msk [tilespmem:v3+s20+$0x0], $0xffff;
	s11 =	sadd.s32 $0x200, s11  }
0x45: {  	p1 =	slt.u32 s7, $0xF8;
	v20 =	vld.idx.msk [tilespmem:v20+s20+$0x0], $0xffff;
	[tilespmem:s9+$0xFFFFFF50] =	vst v17  }
0x46: {  	v17 =	vor.u32 $0x100, v4;
	v12 =	vld.idx.msk [tilespmem:v12+s20+$0x0], $0xffff  }
0x47: {  	v21 =	vld [tilespmem:s10+$0x10];
	[tilespmem:s9+$0xFFFFFF80] =	vst v18  }
0x48: {  	v18 =	vld [tilespmem:s10+$0xFFFFFFE0];
	[tilespmem:s9+$0xFFFFFF10] =	vst v19;
	v19 =	vor.u32 $0x80, v6  }
0x49: {  	v14 =	vld.idx.msk [tilespmem:v14+s20+$0x0], $0xffff;
	[tilespmem:s9+$0xFFFFFF20] =	vst v11  }
0x4a: {  	v11 =	vld.idx.msk [tilespmem:v15+s20+$0x0], $0xffff;
	[tilespmem:s9+$0xFFFFFF70] =	vst v13  }
0x4b: {  	v13 =	vld.idx.msk [tilespmem:v17+s20+$0x0], $0xffff;
	[tilespmem:s9+$0xFFFFFFC0] =	vst v20  }
0x4c: {  	v15 =	vld [tilespmem:s10+$0xFFFFFFF0];
	[tilespmem:s9+$0xFFFFFF30] =	vst v16  }
0x4d: {  	v16 =	vld.idx.msk [tilespmem:v19+s20+$0x0], $0xffff;
	[tilespmem:s9+$0xFFFFFFD0] =	vst v12  }
0x4e: {  	v12 =	vld [tilespmem:s10+$0xFFFFFFC0];
	[tilespmem:s9+$0xFFFFFF60] =	vst v9  }
0x4f: {  	[tilespmem:s9+$0xFFFFFF90] =	vst v14;
	v8 =	vld.idx.msk [tilespmem:v8+s20+$0x0], $0xffff  }
0x50: {  	v9 =	vld [tilespmem:s10+$0x20];
	[tilespmem:s9+$0xFFFFFFA0] =	vst v11;
	v11 =	vor.u32 $0x100, v5  }
0x51: {  	v14 =	vld [tilespmem:s10+$0x30];
	[tilespmem:s9+$0x0] =	vst v13;
	v13 =	vor.u32 $0x100, v7  }
0x52: {  	v19 =	vor.u32 $0x100, v6;
	v17 =	vld [tilespmem:s10+$0xFFFFFFD0]  }
0x53: {  	v20 =	vor.u32 $0x180, v4;
	[tilespmem:s9+$0xFFFFFFB0] =	vst v16;
	v10 =	vld.idx.msk [tilespmem:v10+s20+$0x0], $0xffff  }
0x54: {  	v22 =	vor.u32 $0x100, v2;
	v23 =	vor.u32 $0x180, v5;
	v5 =	vor.u32 $0x100, v1;
	v16 =	vld [tilespmem:s10+$0x0]  }
0x55: {  	v24 =	vor.u32 $0x100, v0;
	v4 =	vshll.u32 v12, $0x2;
	v11 =	vld.idx.msk [tilespmem:v11+s20+$0x0], $0xffff;
	[tilespmem:s9+$0xFFFFFFF0] =	vst v8;
	v8 =	vor.u32 $0x100, v3  }
0x56: {  	v4 =	vand.u32 $0xFFFFFE00, v4;
	v25 =	vand.u32 $0x7F, v14;
	v14 =	vshll.u32 v14, $0x2;
	v13 =	vld.idx.msk [tilespmem:v13+s20+$0x0], $0xffff  }
0x57: {  	v6 =	vor.u32 $0x180, v6;
	v12 =	vand.u32 $0x7F, v12;
	v14 =	vand.u32 $0xFFFFFE00, v14;
	v19 =	vld.idx.msk [tilespmem:v19+s20+$0x0], $0xffff  }
0x58: {  	v7 =	vor.u32 $0x180, v7;
	v4 =	vor.u32 v12, v4;
	v12 =	vshll.u32 v21, $0x2;
	v20 =	vld.idx.msk [tilespmem:v20+s20+$0x0], $0xffff  }
0x59: {  	v26 =	vshll.u32 v15, $0x2;
	v14 =	vor.u32 v25, v14;
	v27 =	vshll.u32 v16, $0x2;
	v22 =	vld.idx.msk [tilespmem:v22+s20+$0x0], $0xffff;
	[tilespmem:s9+$0xFFFFFFE0] =	vst v10  }
0x5a: {  	v21 =	vand.u32 $0x7F, v21;
	v10 =	vand.u32 $0xFFFFFE00, v26;
	v16 =	vand.u32 $0x7F, v16;
	v25 =	vld.idx.msk [tilespmem:v5+s20+$0x0], $0xffff  }
0x5b: {  	v12 =	vand.u32 $0xFFFFFE00, v12;
	v26 =	vor.u32 $0x180, v2;
	v5 =	vand.u32 $0xFFFFFE00, v27;
	[tilespmem:s9+$0x50] =	vst v11;
	v8 =	vld.idx.msk [tilespmem:v8+s20+$0x0], $0xffff  }
0x5c: {  	v2 =	vshll.u32 v18, $0x2;
	v11 =	vor.u32 v16, v5;
	v5 =	vor.u32 v21, v12;
	[tilespmem:s9+$0x10] =	vst v13;
	v12 =	vld.idx.msk [tilespmem:v24+s20+$0x0], $0xffff  }
0x5d: {  	v2 =	vand.u32 $0xFFFFFE00, v2;
	v13 =	vor.u32 $0x180, v3;
	v3 =	vmov v14;
	v7 =	vld.idx.msk [tilespmem:v7+s20+$0x0], $0xffff;
	[tilespmem:s9+$0x30] =	vst v19  }
0x5e: {  	v14 =	vand.u32 $0x7F, v18;
	v18 =	vor.u32 $0x180, v0;
	v0 =	vmovc v11;
	v19 =	vor.u32 $0x180, v1;
	[tilespmem:s9+$0x80] =	vst v20;
	v16 =	vld.idx.msk [tilespmem:v6+s20+$0x0], $0xffff  }
0x5f: {  	v21 =	vor.u32 $0x80, v4;
	v2 =	vor.u32 v14, v2;
	v1 =	vand.u32 $0x7F, v15;
	[tilespmem:s9+$0x20] =	vst v22;
	v11 =	vld.idx.msk [tilespmem:v23+s20+$0x0], $0xffff  }
0x60: {  	v6 =	vor.u32 v1, v10;
	v1 =	vshll.u32 v9, $0x2;
	v10 =	vld.idx.msk [tilespmem:v26+s20+$0x0], $0xffff;
	[tilespmem:s9+$0x60] =	vst v25  }
0x61: {  	v9 =	vand.u32 $0x7F, v9;
	v1 =	vand.u32 $0xFFFFFE00, v1;
	v15 =	vld.idx.msk [tilespmem:v4+s20+$0x0], $0xffff;
	[tilespmem:s9+$0x70] =	vst v8  }
0x62: {  	v1 =	vor.u32 v9, v1;
	[tilespmem:s9+$0x40] =	vst v12;
	v22 =	vld.idx.msk [tilespmem:v13+s20+$0x0], $0xffff  }
0x63: {  	v8 =	vshll.u32 v17, $0x2;
	v12 =	vor.u32 $0x80, v5;
	v13 =	vld.idx.msk [tilespmem:v0+s20+$0x0], $0xffff;
	[tilespmem:s9+$0x90] =	vst v7  }
0x64: {  	v9 =	vand.u32 $0xFFFFFE00, v8;
	v8 =	vor.u32 $0x80, v3;
	v7 =	vand.u32 $0x7F, v17;
	[tilespmem:s9+$0xB0] =	vst v16;
	v16 =	vld.idx.msk [tilespmem:v18+s20+$0x0], $0xffff  }
0x65: {  	v7 =	vor.u32 v7, v9;
	[tilespmem:s9+$0xD0] =	vst v11;
	v23 =	vld.idx.msk [tilespmem:v19+s20+$0x0], $0xffff  }
0x66: {  	v14 =	vor.u32 $0x80, v7;
	v11 =	vld.idx.msk [tilespmem:v2+s20+$0x0], $0xffff  }
.Ltmp2:
0x67: {  	[tilespmem:s11+$0xFFFFFF00] =	vst v15;
	v15 =	vor.u32 $0x80, v2;
	v17 =	vld.idx.msk [tilespmem:v5+s20+$0x0], $0xffff;
	(pc) =	sbr.rel @p1 .LBB2_3-.Ltmp2, $4  }
0x68: {  	v20 =	vor.u32 $0x80, v0;
	v9 =	vld.idx.msk [tilespmem:v1+s20+$0x0], $0xffff;
	[tilespmem:s9+$0xF0] =	vst v22  }
0x69: {  	v18 =	vld.idx.msk [tilespmem:v21+s20+$0x0], $0xffff;
	[tilespmem:s9+$0xA0] =	vst v10  }
0x6a: {  	v19 =	vld.idx.msk [tilespmem:v7+s20+$0x0], $0xffff;
	[tilespmem:s9+$0xC0] =	vst v16  }
0x6b: {  	s10 =	sadd.s32 $0x80, s10;
	v10 =	vor.u32 $0x80, v1;
	v16 =	vld.idx.msk [tilespmem:v6+s20+$0x0], $0xffff;
	[tilespmem:s9+$0xE0] =	vst v23;
	s9 =	smov.u32 s11  }
0x6c: {  	_ =	sdelay $0x1  }
0x6d: {  	[tilespmem:s9+$0xFFFFFF40] =	vst v13  }
0x6e: {  	[tilespmem:s9+$0xFFFFFF50] =	vst v17  }
0x6f: {  	v34 =	vld.idx.msk [tilespmem:v3+s20+$0x0], $0xffff;
	[tilespmem:s9+$0xFFFFFF20] =	vst v11  }
0x70: {  	v36 =	vor.u32 $0x80, v6;
	v35 =	vld.idx.msk [tilespmem:v20+s20+$0x0], $0xffff;
	[tilespmem:s9+$0xFFFFFF60] =	vst v9  }
0x71: {  	v37 =	vor.u32 $0x100, v4;
	v12 =	vld.idx.msk [tilespmem:v12+s20+$0x0], $0xffff;
	[tilespmem:s9+$0xFFFFFF80] =	vst v18  }
0x72: {  	v39 =	vld.idx.msk [tilespmem:v15+s20+$0x0], $0xffff;
	[tilespmem:s9+$0xFFFFFF10] =	vst v19  }
0x73: {  	v40 =	vor.u32 $0x100, v5;
	v9 =	vld.idx.msk [tilespmem:v10+s20+$0x0], $0xffff;
	[tilespmem:s9+$0xFFFFFF30] =	vst v16  }
0x74: {  	v46 =	vor.u32 $0x100, v2;
	v38 =	vld.idx.msk [tilespmem:v14+s20+$0x0], $0xffff;
	[tilespmem:s9+$0xFFFFFF70] =	vst v34  }
0x75: {  	v51 =	vor.u32 $0x100, v0;
	v41 =	vld.idx.msk [tilespmem:v36+s20+$0x0], $0xffff;
	[tilespmem:s9+$0xFFFFFFC0] =	vst v35  }
0x76: {  	v49 =	vor.u32 $0x100, v1;
	v43 =	vld.idx.msk [tilespmem:v37+s20+$0x0], $0xffff;
	[tilespmem:s9+$0xFFFFFFD0] =	vst v12  }
0x77: {  	v42 =	vor.u32 $0x100, v7;
	v8 =	vld.idx.msk [tilespmem:v8+s20+$0x0], $0xffff;
	[tilespmem:s9+$0xFFFFFFA0] =	vst v39  }
0x78: {  	v44 =	vor.u32 $0x100, v6;
	v47 =	vld.idx.msk [tilespmem:v40+s20+$0x0], $0xffff;
	[tilespmem:s9+$0xFFFFFFE0] =	vst v9  }
0x79: {  	v45 =	vor.u32 $0x180, v4;
	v54 =	vld.idx.msk [tilespmem:v46+s20+$0x0], $0xffff;
	[tilespmem:s9+$0xFFFFFF90] =	vst v38  }
0x7a: {  	v48 =	vor.u32 $0x100, v3;
	v60 =	vld.idx.msk [tilespmem:v51+s20+$0x0], $0xffff;
	[tilespmem:s9+$0xFFFFFFB0] =	vst v41  }
0x7b: {  	v55 =	vor.u32 $0x180, v5;
	v57 =	vld.idx.msk [tilespmem:v49+s20+$0x0], $0xffff;
	[tilespmem:s9+$0x0] =	vst v43  }
0x7c: {  	v59 =	vor.u32 $0x180, v2;
	v50 =	vld.idx.msk [tilespmem:v42+s20+$0x0], $0xffff;
	[tilespmem:s9+$0xFFFFFFF0] =	vst v8  }
0x7d: {  	v61 =	vor.u32 $0x180, v0;
	v12 =	vld.idx.msk [tilespmem:v44+s20+$0x0], $0xffff;
	[tilespmem:s9+$0x50] =	vst v47  }
0x7e: {  	v63 =	vor.u32 $0x180, v1;
	v4 =	vld.idx.msk [tilespmem:v45+s20+$0x0], $0xffff;
	[tilespmem:s9+$0x20] =	vst v54  }
0x7f: {  	v52 =	vor.u32 $0x180, v7;
	v56 =	vld.idx.msk [tilespmem:v48+s20+$0x0], $0xffff;
	[tilespmem:s9+$0x40] =	vst v60  }
0x80: {  	v53 =	vor.u32 $0x180, v6;
	v5 =	vld.idx.msk [tilespmem:v55+s20+$0x0], $0xffff;
	[tilespmem:s9+$0x60] =	vst v57  }
0x81: {  	v58 =	vor.u32 $0x180, v3;
	v2 =	vld.idx.msk [tilespmem:v59+s20+$0x0], $0xffff;
	[tilespmem:s9+$0x10] =	vst v50  }
0x82: {  	v0 =	vld.idx.msk [tilespmem:v61+s20+$0x0], $0xffff;
	[tilespmem:s9+$0x30] =	vst v12  }
0x83: {  	v1 =	vld.idx.msk [tilespmem:v63+s20+$0x0], $0xffff;
	[tilespmem:s9+$0x80] =	vst v4  }
0x84: {  	v7 =	vld.idx.msk [tilespmem:v52+s20+$0x0], $0xffff;
	[tilespmem:s9+$0x70] =	vst v56  }
0x85: {  	v62 =	vld.idx.msk [tilespmem:v53+s20+$0x0], $0xffff;
	[tilespmem:s9+$0xD0] =	vst v5  }
0x86: {  	v3 =	vld.idx.msk [tilespmem:v58+s20+$0x0], $0xffff;
	[tilespmem:s9+$0xA0] =	vst v2  }
0x87: {  	p1 =	sne.s32 s3, $0xF;
	[tilespmem:s9+$0xC0] =	vst v0  }
.Ltmp3:
0x88: {  	[tilespmem:s9+$0xE0] =	vst v1;
	(pc) =	sbr.rel @p1 .LBB2_6-.Ltmp3, $4  }
0x89: {  	s7 =	sor.u32 s5, s6;
	[tilespmem:s9+$0x90] =	vst v7  }
0x8a: {  	s7 =	sshrl.u32 s7, $0x3;
	[tilespmem:s9+$0xB0] =	vst v62  }
0x8b: {  	s16 =	sadd.s32 s4, s7;
	[tilespmem:s9+$0xF0] =	vst v3  }
0x8c: {  	[hbm4b:s16+s18] =	stream.strided.scatter [tilespmem:s25], [sflag:$0x5], $0x4000, s19, s18, $0x38;
	[tilespmem:$0x19000] =	vst v63  }
.Ltmp4:
0x8d: {  	(pc) =	sbr.rel .LBB2_7-.Ltmp4, $4  }
0x8e: {  	_ = 	snop  }
0x8f: {  	_ =	swait.ge [sflag:s26], $0x4000  }
0x90: {  	[sflag:s26] =	ssyncset.done $0x0  }
0x91: {  	[sflag:s26] =	ssyncadd.s32 $0xFFFFC000  }
.LBB2_6:
0x92: {  	s9 =	sadd.s32 s5, s13  }
0x93: {  	s9 =	sshrl.u32 s9, $0x3  }
.Ltmp5:
0x94: {  	s9 =	sadd.s32 s2, s9;
	(pc) =	sbr.rel @p0 .LBB2_8-.Ltmp5, $4  }
0x95: {  	[tilespmem:s20], [sflag:$0x1] =	stream.strided.gather [hbm4b:s9+s18], $0x4000, s19, s18, $0x38;
	[tilespmem:$0x19000] =	vst v63  }
0x96: {  	_ =	swait.ge [sflag:s26], $0x4000  }
0x97: {  	[sflag:s26] =	ssyncset.done $0x0  }
0x98: {  	[sflag:s26] =	ssyncadd.s32 $0xFFFFC000  }
.LBB2_7:
0x99: {  	_ =	swait.ge [sflag:s28], $0x4000  }
0x9a: {  	[sflag:s28] =	ssyncset.done $0x0  }
0x9b: {  	[sflag:s28] =	ssyncadd.s32 $0xFFFFC000  }
.LBB2_8:
0x9c: {  	s9 =	simm.s32 $0x40  }
0x9d: {  	v0 =	vld [tilespmem:s9+$0xFFFFFFC0]  }
0x9e: {  	v1 =	vld [tilespmem:s9+$0x10]  }
0x9f: {  	v3 =	vld [tilespmem:s9+$0xFFFFFFE0]  }
0xa0: {  	v2 =	vld [tilespmem:s9+$0x0];
	_ =	sdelay $0x1  }
0xa1: {  	v6 =	vld [tilespmem:s9+$0x20]  }
0xa2: {  	v7 =	vld [tilespmem:s9+$0xFFFFFFF0];
	v4 =	vshll.u32 v0, $0x2;
	v0 =	vand.u32 $0x7F, v0;
	v5 =	vshll.u32 v1, $0x2  }
0xa3: {  	v1 =	vand.u32 $0x7F, v1;
	v9 =	vshll.u32 v3, $0x2;
	v4 =	vand.u32 $0xFFFFFE00, v4  }
0xa4: {  	v8 =	vld [tilespmem:s9+$0xFFFFFFD0];
	v3 =	vand.u32 $0x7F, v3;
	v4 =	vor.u32 v0, v4;
	v0 =	vshll.u32 v2, $0x2  }
0xa5: {  	v5 =	vand.u32 $0xFFFFFE00, v5;
	v2 =	vand.u32 $0x7F, v2;
	v0 =	vand.u32 $0xFFFFFE00, v0  }
0xa6: {  	v5 =	vor.u32 v1, v5;
	v0 =	vor.u32 v2, v0;
	v2 =	vand.u32 $0xFFFFFE00, v9;
	v9 =	vld [tilespmem:s9+$0x30]  }
0xa7: {  	v11 =	vand.u32 $0x7F, v7;
	v2 =	vor.u32 v3, v2;
	v3 =	vshll.u32 v6, $0x2  }
0xa8: {  	v1 =	vand.u32 $0x7F, v6;
	v12 =	vor.u32 $0x80, v4;
	v3 =	vand.u32 $0xFFFFFE00, v3  }
0xa9: {  	v6 =	vshll.u32 v7, $0x2;
	v10 =	vld.idx.msk [tilespmem:v4+s21+$0x0], $0xffff;
	v1 =	vor.u32 v1, v3;
	v3 =	vshll.u32 v8, $0x2  }
0xaa: {  	v6 =	vand.u32 $0xFFFFFE00, v6;
	v8 =	vand.u32 $0x7F, v8;
	v3 =	vand.u32 $0xFFFFFE00, v3  }
0xab: {  	v6 =	vor.u32 v11, v6;
	v17 =	vld.idx.msk [tilespmem:v5+s21+$0x0], $0xffff;
	v7 =	vor.u32 v8, v3;
	v3 =	vshll.u32 v9, $0x2  }
0xac: {  	v13 =	vld.idx.msk [tilespmem:v0+s21+$0x0], $0xffff;
	v8 =	vand.u32 $0x7F, v9;
	v3 =	vand.u32 $0xFFFFFE00, v3  }
0xad: {  	s9 =	simm.s32 $0x15100;
	v11 =	vld.idx.msk [tilespmem:v2+s21+$0x0], $0xffff;
	v3 =	vor.u32 v8, v3  }
0xae: {  	v20 =	vor.u32 $0x80, v0;
	[tilespmem:s9+$0xFFFFFF00] =	vst v10;
	v10 =	vld.idx.msk [tilespmem:v1+s21+$0x0], $0xffff  }
0xaf: {  	v18 =	vld.idx.msk [tilespmem:v12+s21+$0x0], $0xffff;
	v12 =	vor.u32 $0x80, v5  }
0xb0: {  	v15 =	vor.u32 $0x80, v2;
	v16 =	vld.idx.msk [tilespmem:v6+s21+$0x0], $0xffff  }
0xb1: {  	s10 =	simm.s32 $0x0;
	s11 =	simm.s32 $0xC0;
	s16 =	simm.s32 $0x15100;
	v9 =	vor.u32 $0x80, v1;
	v14 =	vor.u32 $0x80, v7;
	v8 =	vor.u32 $0x80, v3;
	v19 =	vld.idx.msk [tilespmem:v7+s21+$0x0], $0xffff  }
.LBB2_9:
0xb2: {  	s10 =	sadd.s32 $0x8, s10;
	[tilespmem:s9+$0xFFFFFF40] =	vst v13;
	v13 =	vld.idx.msk [tilespmem:v3+s21+$0x0], $0xffff;
	s16 =	sadd.s32 $0x200, s16  }
0xb3: {  	p0 =	slt.u32 s10, $0xF8;
	v20 =	vld.idx.msk [tilespmem:v20+s21+$0x0], $0xffff;
	[tilespmem:s9+$0xFFFFFF50] =	vst v17  }
0xb4: {  	v17 =	vor.u32 $0x100, v4;
	v12 =	vld.idx.msk [tilespmem:v12+s21+$0x0], $0xffff  }
0xb5: {  	v21 =	vld [tilespmem:s11+$0x10];
	[tilespmem:s9+$0xFFFFFF80] =	vst v18  }
0xb6: {  	v18 =	vld [tilespmem:s11+$0xFFFFFFE0];
	[tilespmem:s9+$0xFFFFFF10] =	vst v19;
	v19 =	vor.u32 $0x80, v6  }
0xb7: {  	v14 =	vld.idx.msk [tilespmem:v14+s21+$0x0], $0xffff;
	[tilespmem:s9+$0xFFFFFF20] =	vst v11  }
0xb8: {  	v11 =	vld.idx.msk [tilespmem:v15+s21+$0x0], $0xffff;
	[tilespmem:s9+$0xFFFFFF70] =	vst v13  }
0xb9: {  	v13 =	vld.idx.msk [tilespmem:v17+s21+$0x0], $0xffff;
	[tilespmem:s9+$0xFFFFFFC0] =	vst v20  }
0xba: {  	v15 =	vld [tilespmem:s11+$0xFFFFFFF0];
	[tilespmem:s9+$0xFFFFFF30] =	vst v16  }
0xbb: {  	v16 =	vld.idx.msk [tilespmem:v19+s21+$0x0], $0xffff;
	[tilespmem:s9+$0xFFFFFFD0] =	vst v12  }
0xbc: {  	v12 =	vld [tilespmem:s11+$0xFFFFFFC0];
	[tilespmem:s9+$0xFFFFFF60] =	vst v10  }
0xbd: {  	[tilespmem:s9+$0xFFFFFF90] =	vst v14;
	v8 =	vld.idx.msk [tilespmem:v8+s21+$0x0], $0xffff  }
0xbe: {  	v10 =	vld [tilespmem:s11+$0x20];
	[tilespmem:s9+$0xFFFFFFA0] =	vst v11;
	v11 =	vor.u32 $0x100, v5  }
0xbf: {  	v14 =	vld [tilespmem:s11+$0x30];
	[tilespmem:s9+$0x0] =	vst v13;
	v13 =	vor.u32 $0x100, v7  }
0xc0: {  	v19 =	vor.u32 $0x100, v6;
	v17 =	vld [tilespmem:s11+$0xFFFFFFD0]  }
0xc1: {  	v20 =	vor.u32 $0x180, v4;
	[tilespmem:s9+$0xFFFFFFB0] =	vst v16;
	v9 =	vld.idx.msk [tilespmem:v9+s21+$0x0], $0xffff  }
0xc2: {  	v22 =	vor.u32 $0x100, v2;
	v23 =	vor.u32 $0x180, v5;
	v5 =	vor.u32 $0x100, v1;
	v16 =	vld [tilespmem:s11+$0x0]  }
0xc3: {  	v24 =	vor.u32 $0x100, v0;
	v4 =	vshll.u32 v12, $0x2;
	v11 =	vld.idx.msk [tilespmem:v11+s21+$0x0], $0xffff;
	[tilespmem:s9+$0xFFFFFFF0] =	vst v8;
	v8 =	vor.u32 $0x100, v3  }
0xc4: {  	v4 =	vand.u32 $0xFFFFFE00, v4;
	v25 =	vand.u32 $0x7F, v14;
	v14 =	vshll.u32 v14, $0x2;
	v13 =	vld.idx.msk [tilespmem:v13+s21+$0x0], $0xffff  }
0xc5: {  	v6 =	vor.u32 $0x180, v6;
	v12 =	vand.u32 $0x7F, v12;
	v14 =	vand.u32 $0xFFFFFE00, v14;
	v19 =	vld.idx.msk [tilespmem:v19+s21+$0x0], $0xffff  }
0xc6: {  	v7 =	vor.u32 $0x180, v7;
	v4 =	vor.u32 v12, v4;
	v12 =	vshll.u32 v21, $0x2;
	v20 =	vld.idx.msk [tilespmem:v20+s21+$0x0], $0xffff  }
0xc7: {  	v26 =	vshll.u32 v15, $0x2;
	v14 =	vor.u32 v25, v14;
	v27 =	vshll.u32 v16, $0x2;
	v22 =	vld.idx.msk [tilespmem:v22+s21+$0x0], $0xffff;
	[tilespmem:s9+$0xFFFFFFE0] =	vst v9  }
0xc8: {  	v21 =	vand.u32 $0x7F, v21;
	v9 =	vand.u32 $0xFFFFFE00, v26;
	v16 =	vand.u32 $0x7F, v16;
	v25 =	vld.idx.msk [tilespmem:v5+s21+$0x0], $0xffff  }
0xc9: {  	v12 =	vand.u32 $0xFFFFFE00, v12;
	v26 =	vor.u32 $0x180, v2;
	v5 =	vand.u32 $0xFFFFFE00, v27;
	[tilespmem:s9+$0x50] =	vst v11;
	v8 =	vld.idx.msk [tilespmem:v8+s21+$0x0], $0xffff  }
0xca: {  	v2 =	vshll.u32 v18, $0x2;
	v11 =	vor.u32 v16, v5;
	v5 =	vor.u32 v21, v12;
	[tilespmem:s9+$0x10] =	vst v13;
	v12 =	vld.idx.msk [tilespmem:v24+s21+$0x0], $0xffff  }
0xcb: {  	v2 =	vand.u32 $0xFFFFFE00, v2;
	v13 =	vor.u32 $0x180, v3;
	v3 =	vmov v14;
	v7 =	vld.idx.msk [tilespmem:v7+s21+$0x0], $0xffff;
	[tilespmem:s9+$0x30] =	vst v19  }
0xcc: {  	v14 =	vand.u32 $0x7F, v18;
	v18 =	vor.u32 $0x180, v0;
	v0 =	vmovc v11;
	v19 =	vor.u32 $0x180, v1;
	[tilespmem:s9+$0x80] =	vst v20;
	v16 =	vld.idx.msk [tilespmem:v6+s21+$0x0], $0xffff  }
0xcd: {  	v21 =	vor.u32 $0x80, v4;
	v2 =	vor.u32 v14, v2;
	v1 =	vand.u32 $0x7F, v15;
	[tilespmem:s9+$0x20] =	vst v22;
	v11 =	vld.idx.msk [tilespmem:v23+s21+$0x0], $0xffff  }
0xce: {  	v6 =	vor.u32 v1, v9;
	v1 =	vshll.u32 v10, $0x2;
	v9 =	vld.idx.msk [tilespmem:v26+s21+$0x0], $0xffff;
	[tilespmem:s9+$0x60] =	vst v25  }
0xcf: {  	v10 =	vand.u32 $0x7F, v10;
	v1 =	vand.u32 $0xFFFFFE00, v1;
	v15 =	vld.idx.msk [tilespmem:v4+s21+$0x0], $0xffff;
	[tilespmem:s9+$0x70] =	vst v8  }
0xd0: {  	v1 =	vor.u32 v10, v1;
	[tilespmem:s9+$0x40] =	vst v12;
	v22 =	vld.idx.msk [tilespmem:v13+s21+$0x0], $0xffff  }
0xd1: {  	v8 =	vshll.u32 v17, $0x2;
	v12 =	vor.u32 $0x80, v5;
	v13 =	vld.idx.msk [tilespmem:v0+s21+$0x0], $0xffff;
	[tilespmem:s9+$0x90] =	vst v7  }
0xd2: {  	v10 =	vand.u32 $0xFFFFFE00, v8;
	v8 =	vor.u32 $0x80, v3;
	v7 =	vand.u32 $0x7F, v17;
	[tilespmem:s9+$0xB0] =	vst v16;
	v16 =	vld.idx.msk [tilespmem:v18+s21+$0x0], $0xffff  }
0xd3: {  	v7 =	vor.u32 v7, v10;
	[tilespmem:s9+$0xD0] =	vst v11;
	v23 =	vld.idx.msk [tilespmem:v19+s21+$0x0], $0xffff  }
0xd4: {  	v14 =	vor.u32 $0x80, v7;
	v11 =	vld.idx.msk [tilespmem:v2+s21+$0x0], $0xffff  }
.Ltmp6:
0xd5: {  	[tilespmem:s16+$0xFFFFFF00] =	vst v15;
	v15 =	vor.u32 $0x80, v2;
	v17 =	vld.idx.msk [tilespmem:v5+s21+$0x0], $0xffff;
	(pc) =	sbr.rel @p0 .LBB2_9-.Ltmp6, $4  }
0xd6: {  	v20 =	vor.u32 $0x80, v0;
	v10 =	vld.idx.msk [tilespmem:v1+s21+$0x0], $0xffff;
	[tilespmem:s9+$0xF0] =	vst v22  }
0xd7: {  	v18 =	vld.idx.msk [tilespmem:v21+s21+$0x0], $0xffff;
	[tilespmem:s9+$0xA0] =	vst v9  }
0xd8: {  	v19 =	vld.idx.msk [tilespmem:v7+s21+$0x0], $0xffff;
	[tilespmem:s9+$0xC0] =	vst v16  }
0xd9: {  	s11 =	sadd.s32 $0x80, s11;
	v9 =	vor.u32 $0x80, v1;
	v16 =	vld.idx.msk [tilespmem:v6+s21+$0x0], $0xffff;
	[tilespmem:s9+$0xE0] =	vst v23;
	s9 =	smov.u32 s16  }
0xda: {  	_ =	sdelay $0x2  }
0xdb: {  	[tilespmem:s9+$0xFFFFFF40] =	vst v13  }
0xdc: {  	v13 =	vld.idx.msk [tilespmem:v3+s21+$0x0], $0xffff;
	[tilespmem:s9+$0xFFFFFF50] =	vst v17  }
0xdd: {  	[tilespmem:s9+$0xFFFFFF20] =	vst v11;
	v17 =	vld.idx.msk [tilespmem:v20+s21+$0x0], $0xffff;
	v20 =	vor.u32 $0x100, v4  }
0xde: {  	[tilespmem:s9+$0xFFFFFF80] =	vst v18  }
0xdf: {  	v12 =	vld.idx.msk [tilespmem:v12+s21+$0x0], $0xffff;
	v18 =	vor.u32 $0x80, v6;
	[tilespmem:s9+$0xFFFFFF10] =	vst v19  }
0xe0: {  	[tilespmem:s9+$0xFFFFFF60] =	vst v10;
	v11 =	vld.idx.msk [tilespmem:v14+s21+$0x0], $0xffff  }
0xe1: {  	[tilespmem:s9+$0xFFFFFF70] =	vst v13;
	v13 =	vld.idx.msk [tilespmem:v15+s21+$0x0], $0xffff  }
0xe2: {  	v14 =	vor.u32 $0x100, v5;
	[tilespmem:s9+$0xFFFFFFC0] =	vst v17;
	v17 =	vld.idx.msk [tilespmem:v20+s21+$0x0], $0xffff  }
0xe3: {  	v10 =	vor.u32 $0x100, v2;
	[tilespmem:s9+$0xFFFFFF30] =	vst v16;
	v8 =	vld.idx.msk [tilespmem:v8+s21+$0x0], $0xffff  }
0xe4: {  	v16 =	vor.u32 $0x100, v7;
	[tilespmem:s9+$0xFFFFFFD0] =	vst v12;
	v15 =	vld.idx.msk [tilespmem:v18+s21+$0x0], $0xffff  }
0xe5: {  	v4 =	vor.u32 $0x180, v4;
	[tilespmem:s9+$0xFFFFFF90] =	vst v11  }
0xe6: {  	v9 =	vld.idx.msk [tilespmem:v9+s21+$0x0], $0xffff;
	v12 =	vor.u32 $0x100, v6;
	[tilespmem:s9+$0xFFFFFFA0] =	vst v13  }
0xe7: {  	v11 =	vld.idx.msk [tilespmem:v14+s21+$0x0], $0xffff;
	v14 =	vor.u32 $0x100, v1;
	[tilespmem:s9+$0x0] =	vst v17  }
0xe8: {  	v13 =	vor.u32 $0x100, v3;
	[tilespmem:s9+$0xFFFFFFF0] =	vst v8;
	v8 =	vld.idx.msk [tilespmem:v10+s21+$0x0], $0xffff  }
0xe9: {  	v5 =	vor.u32 $0x180, v5;
	[tilespmem:s9+$0xFFFFFFB0] =	vst v15;
	v15 =	vld.idx.msk [tilespmem:v16+s21+$0x0], $0xffff  }
0xea: {  	v16 =	vor.u32 $0x100, v0;
	v4 =	vld.idx.msk [tilespmem:v4+s21+$0x0], $0xffff  }
0xeb: {  	v2 =	vor.u32 $0x180, v2;
	[tilespmem:s9+$0xFFFFFFE0] =	vst v9;
	v12 =	vld.idx.msk [tilespmem:v12+s21+$0x0], $0xffff  }
0xec: {  	v7 =	vor.u32 $0x180, v7;
	[tilespmem:s9+$0x50] =	vst v11;
	v10 =	vld.idx.msk [tilespmem:v14+s21+$0x0], $0xffff  }
0xed: {  	v6 =	vor.u32 $0x180, v6;
	v9 =	vld.idx.msk [tilespmem:v13+s21+$0x0], $0xffff;
	[tilespmem:s9+$0x20] =	vst v8  }
0xee: {  	v1 =	vor.u32 $0x180, v1;
	v5 =	vld.idx.msk [tilespmem:v5+s21+$0x0], $0xffff;
	[tilespmem:s9+$0x10] =	vst v15  }
0xef: {  	v3 =	vor.u32 $0x180, v3;
	v11 =	vld.idx.msk [tilespmem:v16+s21+$0x0], $0xffff;
	[tilespmem:s9+$0x80] =	vst v4  }
0xf0: {  	v0 =	vor.u32 $0x180, v0;
	v2 =	vld.idx.msk [tilespmem:v2+s21+$0x0], $0xffff;
	[tilespmem:s9+$0x30] =	vst v12  }
0xf1: {  	v7 =	vld.idx.msk [tilespmem:v7+s21+$0x0], $0xffff;
	[tilespmem:s9+$0x60] =	vst v10  }
0xf2: {  	v4 =	vld.idx.msk [tilespmem:v6+s21+$0x0], $0xffff;
	[tilespmem:s9+$0x70] =	vst v9  }
0xf3: {  	v1 =	vld.idx.msk [tilespmem:v1+s21+$0x0], $0xffff;
	[tilespmem:s9+$0xD0] =	vst v5  }
0xf4: {  	v3 =	vld.idx.msk [tilespmem:v3+s21+$0x0], $0xffff;
	[tilespmem:s9+$0x40] =	vst v11  }
0xf5: {  	[tilespmem:s9+$0xA0] =	vst v2;
	v0 =	vld.idx.msk [tilespmem:v0+s21+$0x0], $0xffff  }
0xf6: {  	[tilespmem:s9+$0x90] =	vst v7  }
0xf7: {  	[tilespmem:s9+$0xB0] =	vst v4  }
0xf8: {  	[tilespmem:s9+$0xE0] =	vst v1  }
0xf9: {  	[tilespmem:s9+$0xF0] =	vst v3  }
0xfa: {  	p0 =	seq.s32 s3, $0xF;
	s7 =	sadd.s32 s7, s14;
	[tilespmem:s9+$0xC0] =	vst v0  }
0xfb: {  	[hbm4b:s7+s18] =	stream.strided.scatter [tilespmem:s29], [sflag:$0x6], $0x4000, s19, s18, $0x38;
	[tilespmem:$0x19000] =	vst v63  }
0xfc: {  	s7 =	sadd.s32 @!p0 s5, s13  }
0xfd: {  	s10 =	simm.s32 @!p0 $0x400;
	s7 =	sshrl.u32 @!p0 s7, $0x3  }
0xfe: {  	s11 =	simm.s32 @!p0 $0x5000;
	s9 =	simm.s32 @!p0 $0x200;
	s7 =	sadd.s32 @!p0 s7, s8  }
0xff: {  	[tilespmem:s11], [sflag:$0x2] =	stream.strided.gather @!p0 [hbm4b:s7+s9], $0x4000, s10, s9, $0x38;
	[tilespmem:$0x19000] =	vst v63  }
0x100: {  	_ =	swait.ge [sflag:s30], $0x4000  }
0x101: {  	[sflag:s30] =	ssyncset.done $0x0  }
0x102: {  	[sflag:s30] =	ssyncadd.s32 $0xFFFFC000  }
0x103: {  	_ =	swait.ge [sflag:s31], $0x4000  }
0x104: {  	[sflag:s31] =	ssyncset.done $0x0  }
0x105: {  	s16 =	simm.s32 $0x40;
	[sflag:s31] =	ssyncadd.s32 $0xFFFFC000  }
0x106: {  	v0 =	vld [tilespmem:s16+$0xFFFFFFC0]  }
0x107: {  	v1 =	vld [tilespmem:s16+$0x10]  }
0x108: {  	v3 =	vld [tilespmem:s16+$0xFFFFFFE0]  }
0x109: {  	v2 =	vld [tilespmem:s16+$0x0];
	_ =	sdelay $0x1  }
0x10a: {  	v6 =	vld [tilespmem:s16+$0x20]  }
0x10b: {  	v7 =	vld [tilespmem:s16+$0xFFFFFFF0];
	v4 =	vshll.u32 v0, $0x2;
	v0 =	vand.u32 $0x7F, v0;
	v5 =	vshll.u32 v1, $0x2  }
0x10c: {  	v1 =	vand.u32 $0x7F, v1;
	v9 =	vshll.u32 v3, $0x2;
	v4 =	vand.u32 $0xFFFFFE00, v4  }
0x10d: {  	v8 =	vld [tilespmem:s16+$0xFFFFFFD0];
	v3 =	vand.u32 $0x7F, v3;
	v4 =	vor.u32 v0, v4;
	v0 =	vshll.u32 v2, $0x2  }
0x10e: {  	v5 =	vand.u32 $0xFFFFFE00, v5;
	v2 =	vand.u32 $0x7F, v2;
	v0 =	vand.u32 $0xFFFFFE00, v0  }
0x10f: {  	v5 =	vor.u32 v1, v5;
	v0 =	vor.u32 v2, v0;
	v2 =	vand.u32 $0xFFFFFE00, v9;
	v9 =	vld [tilespmem:s16+$0x30]  }
0x110: {  	v11 =	vand.u32 $0x7F, v7;
	v2 =	vor.u32 v3, v2;
	v3 =	vshll.u32 v6, $0x2  }
0x111: {  	v1 =	vand.u32 $0x7F, v6;
	v12 =	vor.u32 $0x80, v4;
	v3 =	vand.u32 $0xFFFFFE00, v3  }
0x112: {  	v6 =	vshll.u32 v7, $0x2;
	v10 =	vld.idx.msk [tilespmem:v4+s22+$0x0], $0xffff;
	v1 =	vor.u32 v1, v3;
	v3 =	vshll.u32 v8, $0x2  }
0x113: {  	v6 =	vand.u32 $0xFFFFFE00, v6;
	v8 =	vand.u32 $0x7F, v8;
	v3 =	vand.u32 $0xFFFFFE00, v3  }
0x114: {  	v6 =	vor.u32 v11, v6;
	v17 =	vld.idx.msk [tilespmem:v5+s22+$0x0], $0xffff;
	v7 =	vor.u32 v8, v3;
	v3 =	vshll.u32 v9, $0x2  }
0x115: {  	v13 =	vld.idx.msk [tilespmem:v0+s22+$0x0], $0xffff;
	v8 =	vand.u32 $0x7F, v9;
	v3 =	vand.u32 $0xFFFFFE00, v3  }
0x116: {  	s9 =	simm.s32 $0x11100;
	v11 =	vld.idx.msk [tilespmem:v2+s22+$0x0], $0xffff;
	v3 =	vor.u32 v8, v3  }
0x117: {  	v20 =	vor.u32 $0x80, v0;
	[tilespmem:s9+$0xFFFFFF00] =	vst v10;
	v10 =	vld.idx.msk [tilespmem:v1+s22+$0x0], $0xffff  }
0x118: {  	v18 =	vld.idx.msk [tilespmem:v12+s22+$0x0], $0xffff;
	v12 =	vor.u32 $0x80, v5  }
0x119: {  	v15 =	vor.u32 $0x80, v2;
	v16 =	vld.idx.msk [tilespmem:v6+s22+$0x0], $0xffff  }
0x11a: {  	s7 =	simm.s32 $0x0;
	s10 =	simm.s32 $0xC0;
	s11 =	simm.s32 $0x11100;
	v9 =	vor.u32 $0x80, v1;
	v14 =	vor.u32 $0x80, v7;
	v8 =	vor.u32 $0x80, v3;
	v19 =	vld.idx.msk [tilespmem:v7+s22+$0x0], $0xffff  }
.LBB2_11:
0x11b: {  	s7 =	sadd.s32 $0x8, s7;
	[tilespmem:s9+$0xFFFFFF40] =	vst v13;
	v13 =	vld.idx.msk [tilespmem:v3+s22+$0x0], $0xffff;
	s11 =	sadd.s32 $0x200, s11  }
0x11c: {  	p1 =	slt.u32 s7, $0xF8;
	v20 =	vld.idx.msk [tilespmem:v20+s22+$0x0], $0xffff;
	[tilespmem:s9+$0xFFFFFF50] =	vst v17  }
0x11d: {  	v17 =	vor.u32 $0x100, v4;
	v12 =	vld.idx.msk [tilespmem:v12+s22+$0x0], $0xffff  }
0x11e: {  	v21 =	vld [tilespmem:s10+$0x10];
	[tilespmem:s9+$0xFFFFFF80] =	vst v18  }
0x11f: {  	v18 =	vld [tilespmem:s10+$0xFFFFFFE0];
	[tilespmem:s9+$0xFFFFFF10] =	vst v19;
	v19 =	vor.u32 $0x80, v6  }
0x120: {  	v14 =	vld.idx.msk [tilespmem:v14+s22+$0x0], $0xffff;
	[tilespmem:s9+$0xFFFFFF20] =	vst v11  }
0x121: {  	v11 =	vld.idx.msk [tilespmem:v15+s22+$0x0], $0xffff;
	[tilespmem:s9+$0xFFFFFF70] =	vst v13  }
0x122: {  	v13 =	vld.idx.msk [tilespmem:v17+s22+$0x0], $0xffff;
	[tilespmem:s9+$0xFFFFFFC0] =	vst v20  }
0x123: {  	v15 =	vld [tilespmem:s10+$0xFFFFFFF0];
	[tilespmem:s9+$0xFFFFFF30] =	vst v16  }
0x124: {  	v16 =	vld.idx.msk [tilespmem:v19+s22+$0x0], $0xffff;
	[tilespmem:s9+$0xFFFFFFD0] =	vst v12  }
0x125: {  	v12 =	vld [tilespmem:s10+$0xFFFFFFC0];
	[tilespmem:s9+$0xFFFFFF60] =	vst v10  }
0x126: {  	[tilespmem:s9+$0xFFFFFF90] =	vst v14;
	v8 =	vld.idx.msk [tilespmem:v8+s22+$0x0], $0xffff  }
0x127: {  	v10 =	vld [tilespmem:s10+$0x20];
	[tilespmem:s9+$0xFFFFFFA0] =	vst v11;
	v11 =	vor.u32 $0x100, v5  }
0x128: {  	v14 =	vld [tilespmem:s10+$0x30];
	[tilespmem:s9+$0x0] =	vst v13;
	v13 =	vor.u32 $0x100, v7  }
0x129: {  	v19 =	vor.u32 $0x100, v6;
	v17 =	vld [tilespmem:s10+$0xFFFFFFD0]  }
0x12a: {  	v20 =	vor.u32 $0x180, v4;
	[tilespmem:s9+$0xFFFFFFB0] =	vst v16;
	v9 =	vld.idx.msk [tilespmem:v9+s22+$0x0], $0xffff  }
0x12b: {  	v22 =	vor.u32 $0x100, v2;
	v23 =	vor.u32 $0x180, v5;
	v5 =	vor.u32 $0x100, v1;
	v16 =	vld [tilespmem:s10+$0x0]  }
0x12c: {  	v24 =	vor.u32 $0x100, v0;
	v4 =	vshll.u32 v12, $0x2;
	v11 =	vld.idx.msk [tilespmem:v11+s22+$0x0], $0xffff;
	[tilespmem:s9+$0xFFFFFFF0] =	vst v8;
	v8 =	vor.u32 $0x100, v3  }
0x12d: {  	v4 =	vand.u32 $0xFFFFFE00, v4;
	v25 =	vand.u32 $0x7F, v14;
	v14 =	vshll.u32 v14, $0x2;
	v13 =	vld.idx.msk [tilespmem:v13+s22+$0x0], $0xffff  }
0x12e: {  	v6 =	vor.u32 $0x180, v6;
	v12 =	vand.u32 $0x7F, v12;
	v14 =	vand.u32 $0xFFFFFE00, v14;
	v19 =	vld.idx.msk [tilespmem:v19+s22+$0x0], $0xffff  }
0x12f: {  	v7 =	vor.u32 $0x180, v7;
	v4 =	vor.u32 v12, v4;
	v12 =	vshll.u32 v21, $0x2;
	v20 =	vld.idx.msk [tilespmem:v20+s22+$0x0], $0xffff  }
0x130: {  	v26 =	vshll.u32 v15, $0x2;
	v14 =	vor.u32 v25, v14;
	v27 =	vshll.u32 v16, $0x2;
	v22 =	vld.idx.msk [tilespmem:v22+s22+$0x0], $0xffff;
	[tilespmem:s9+$0xFFFFFFE0] =	vst v9  }
0x131: {  	v21 =	vand.u32 $0x7F, v21;
	v9 =	vand.u32 $0xFFFFFE00, v26;
	v16 =	vand.u32 $0x7F, v16;
	v25 =	vld.idx.msk [tilespmem:v5+s22+$0x0], $0xffff  }
0x132: {  	v12 =	vand.u32 $0xFFFFFE00, v12;
	v26 =	vor.u32 $0x180, v2;
	v5 =	vand.u32 $0xFFFFFE00, v27;
	[tilespmem:s9+$0x50] =	vst v11;
	v8 =	vld.idx.msk [tilespmem:v8+s22+$0x0], $0xffff  }
0x133: {  	v2 =	vshll.u32 v18, $0x2;
	v11 =	vor.u32 v16, v5;
	v5 =	vor.u32 v21, v12;
	[tilespmem:s9+$0x10] =	vst v13;
	v12 =	vld.idx.msk [tilespmem:v24+s22+$0x0], $0xffff  }
0x134: {  	v2 =	vand.u32 $0xFFFFFE00, v2;
	v13 =	vor.u32 $0x180, v3;
	v3 =	vmov v14;
	v7 =	vld.idx.msk [tilespmem:v7+s22+$0x0], $0xffff;
	[tilespmem:s9+$0x30] =	vst v19  }
0x135: {  	v14 =	vand.u32 $0x7F, v18;
	v18 =	vor.u32 $0x180, v0;
	v0 =	vmovc v11;
	v19 =	vor.u32 $0x180, v1;
	[tilespmem:s9+$0x80] =	vst v20;
	v16 =	vld.idx.msk [tilespmem:v6+s22+$0x0], $0xffff  }
0x136: {  	v21 =	vor.u32 $0x80, v4;
	v2 =	vor.u32 v14, v2;
	v1 =	vand.u32 $0x7F, v15;
	[tilespmem:s9+$0x20] =	vst v22;
	v11 =	vld.idx.msk [tilespmem:v23+s22+$0x0], $0xffff  }
0x137: {  	v6 =	vor.u32 v1, v9;
	v1 =	vshll.u32 v10, $0x2;
	v9 =	vld.idx.msk [tilespmem:v26+s22+$0x0], $0xffff;
	[tilespmem:s9+$0x60] =	vst v25  }
0x138: {  	v10 =	vand.u32 $0x7F, v10;
	v1 =	vand.u32 $0xFFFFFE00, v1;
	v15 =	vld.idx.msk [tilespmem:v4+s22+$0x0], $0xffff;
	[tilespmem:s9+$0x70] =	vst v8  }
0x139: {  	v1 =	vor.u32 v10, v1;
	[tilespmem:s9+$0x40] =	vst v12;
	v22 =	vld.idx.msk [tilespmem:v13+s22+$0x0], $0xffff  }
0x13a: {  	v8 =	vshll.u32 v17, $0x2;
	v12 =	vor.u32 $0x80, v5;
	v13 =	vld.idx.msk [tilespmem:v0+s22+$0x0], $0xffff;
	[tilespmem:s9+$0x90] =	vst v7  }
0x13b: {  	v10 =	vand.u32 $0xFFFFFE00, v8;
	v8 =	vor.u32 $0x80, v3;
	v7 =	vand.u32 $0x7F, v17;
	[tilespmem:s9+$0xB0] =	vst v16;
	v16 =	vld.idx.msk [tilespmem:v18+s22+$0x0], $0xffff  }
0x13c: {  	v7 =	vor.u32 v7, v10;
	[tilespmem:s9+$0xD0] =	vst v11;
	v23 =	vld.idx.msk [tilespmem:v19+s22+$0x0], $0xffff  }
0x13d: {  	v14 =	vor.u32 $0x80, v7;
	v11 =	vld.idx.msk [tilespmem:v2+s22+$0x0], $0xffff  }
.Ltmp7:
0x13e: {  	[tilespmem:s11+$0xFFFFFF00] =	vst v15;
	v15 =	vor.u32 $0x80, v2;
	v17 =	vld.idx.msk [tilespmem:v5+s22+$0x0], $0xffff;
	(pc) =	sbr.rel @p1 .LBB2_11-.Ltmp7, $4  }
0x13f: {  	v20 =	vor.u32 $0x80, v0;
	v10 =	vld.idx.msk [tilespmem:v1+s22+$0x0], $0xffff;
	[tilespmem:s9+$0xF0] =	vst v22  }
0x140: {  	v18 =	vld.idx.msk [tilespmem:v21+s22+$0x0], $0xffff;
	[tilespmem:s9+$0xA0] =	vst v9  }
0x141: {  	v19 =	vld.idx.msk [tilespmem:v7+s22+$0x0], $0xffff;
	[tilespmem:s9+$0xC0] =	vst v16  }
0x142: {  	s10 =	sadd.s32 $0x80, s10;
	v9 =	vor.u32 $0x80, v1;
	v16 =	vld.idx.msk [tilespmem:v6+s22+$0x0], $0xffff;
	[tilespmem:s9+$0xE0] =	vst v23;
	s9 =	smov.u32 s11  }
0x143: {  	_ =	sdelay $0x2  }
0x144: {  	[tilespmem:s9+$0xFFFFFF40] =	vst v13  }
0x145: {  	v13 =	vld.idx.msk [tilespmem:v3+s22+$0x0], $0xffff;
	[tilespmem:s9+$0xFFFFFF50] =	vst v17  }
0x146: {  	[tilespmem:s9+$0xFFFFFF20] =	vst v11;
	v17 =	vld.idx.msk [tilespmem:v20+s22+$0x0], $0xffff;
	v20 =	vor.u32 $0x100, v4  }
0x147: {  	[tilespmem:s9+$0xFFFFFF80] =	vst v18  }
0x148: {  	v12 =	vld.idx.msk [tilespmem:v12+s22+$0x0], $0xffff;
	v18 =	vor.u32 $0x80, v6;
	[tilespmem:s9+$0xFFFFFF10] =	vst v19  }
0x149: {  	[tilespmem:s9+$0xFFFFFF60] =	vst v10;
	v11 =	vld.idx.msk [tilespmem:v14+s22+$0x0], $0xffff  }
0x14a: {  	[tilespmem:s9+$0xFFFFFF70] =	vst v13;
	v13 =	vld.idx.msk [tilespmem:v15+s22+$0x0], $0xffff  }
0x14b: {  	v14 =	vor.u32 $0x100, v5;
	[tilespmem:s9+$0xFFFFFFC0] =	vst v17;
	v17 =	vld.idx.msk [tilespmem:v20+s22+$0x0], $0xffff  }
0x14c: {  	v10 =	vor.u32 $0x100, v2;
	[tilespmem:s9+$0xFFFFFF30] =	vst v16;
	v8 =	vld.idx.msk [tilespmem:v8+s22+$0x0], $0xffff  }
0x14d: {  	v16 =	vor.u32 $0x100, v7;
	[tilespmem:s9+$0xFFFFFFD0] =	vst v12;
	v15 =	vld.idx.msk [tilespmem:v18+s22+$0x0], $0xffff  }
0x14e: {  	v4 =	vor.u32 $0x180, v4;
	[tilespmem:s9+$0xFFFFFF90] =	vst v11  }
0x14f: {  	v9 =	vld.idx.msk [tilespmem:v9+s22+$0x0], $0xffff;
	v12 =	vor.u32 $0x100, v6;
	[tilespmem:s9+$0xFFFFFFA0] =	vst v13  }
0x150: {  	v11 =	vld.idx.msk [tilespmem:v14+s22+$0x0], $0xffff;
	v14 =	vor.u32 $0x100, v1;
	[tilespmem:s9+$0x0] =	vst v17  }
0x151: {  	v13 =	vor.u32 $0x100, v3;
	[tilespmem:s9+$0xFFFFFFF0] =	vst v8;
	v8 =	vld.idx.msk [tilespmem:v10+s22+$0x0], $0xffff  }
0x152: {  	v5 =	vor.u32 $0x180, v5;
	[tilespmem:s9+$0xFFFFFFB0] =	vst v15;
	v15 =	vld.idx.msk [tilespmem:v16+s22+$0x0], $0xffff  }
0x153: {  	v16 =	vor.u32 $0x100, v0;
	v4 =	vld.idx.msk [tilespmem:v4+s22+$0x0], $0xffff  }
0x154: {  	v2 =	vor.u32 $0x180, v2;
	[tilespmem:s9+$0xFFFFFFE0] =	vst v9;
	v12 =	vld.idx.msk [tilespmem:v12+s22+$0x0], $0xffff  }
0x155: {  	v7 =	vor.u32 $0x180, v7;
	[tilespmem:s9+$0x50] =	vst v11;
	v10 =	vld.idx.msk [tilespmem:v14+s22+$0x0], $0xffff  }
0x156: {  	v6 =	vor.u32 $0x180, v6;
	v9 =	vld.idx.msk [tilespmem:v13+s22+$0x0], $0xffff;
	[tilespmem:s9+$0x20] =	vst v8  }
0x157: {  	v1 =	vor.u32 $0x180, v1;
	v5 =	vld.idx.msk [tilespmem:v5+s22+$0x0], $0xffff;
	[tilespmem:s9+$0x10] =	vst v15  }
0x158: {  	v3 =	vor.u32 $0x180, v3;
	v11 =	vld.idx.msk [tilespmem:v16+s22+$0x0], $0xffff;
	[tilespmem:s9+$0x80] =	vst v4  }
0x159: {  	v0 =	vor.u32 $0x180, v0;
	v2 =	vld.idx.msk [tilespmem:v2+s22+$0x0], $0xffff;
	[tilespmem:s9+$0x30] =	vst v12  }
0x15a: {  	v7 =	vld.idx.msk [tilespmem:v7+s22+$0x0], $0xffff;
	[tilespmem:s9+$0x60] =	vst v10  }
0x15b: {  	v4 =	vld.idx.msk [tilespmem:v6+s22+$0x0], $0xffff;
	[tilespmem:s9+$0x70] =	vst v9  }
0x15c: {  	v1 =	vld.idx.msk [tilespmem:v1+s22+$0x0], $0xffff;
	[tilespmem:s9+$0xD0] =	vst v5  }
0x15d: {  	v3 =	vld.idx.msk [tilespmem:v3+s22+$0x0], $0xffff;
	[tilespmem:s9+$0x40] =	vst v11  }
0x15e: {  	[tilespmem:s9+$0xA0] =	vst v2;
	v0 =	vld.idx.msk [tilespmem:v0+s22+$0x0], $0xffff  }
0x15f: {  	[tilespmem:s9+$0x90] =	vst v7  }
0x160: {  	[tilespmem:s9+$0xB0] =	vst v4  }
0x161: {  	s7 =	sadd.s32 s12, s5;
	[tilespmem:s9+$0xE0] =	vst v1  }
0x162: {  	s7 =	sshrl.u32 s7, $0x3;
	[tilespmem:s9+$0xF0] =	vst v3  }
0x163: {  	s11 =	sadd.s32 s4, s7;
	[tilespmem:s9+$0xC0] =	vst v0;
	s9 =	sadd.s32 @!p0 s5, s15  }
0x164: {  	[hbm4b:s11+s18] =	stream.strided.scatter [tilespmem:s25], [sflag:$0x5], $0x4000, s19, s18, $0x38;
	[tilespmem:$0x19000] =	vst v63  }
0x165: {  	s10 =	simm.s32 @!p0 $0x200;
	s9 =	sshrl.u32 @!p0 s9, $0x3  }
0x166: {  	s16 =	simm.s32 @!p0 $0x9000;
	s11 =	simm.s32 @!p0 $0x400;
	s9 =	sadd.s32 @!p0 s2, s9  }
0x167: {  	[tilespmem:s16], [sflag:$0x3] =	stream.strided.gather @!p0 [hbm4b:s9+s10], $0x4000, s11, s10, $0x38;
	[tilespmem:$0x19000] =	vst v63  }
0x168: {  	_ =	swait.ge [sflag:s1], $0x4000  }
0x169: {  	[sflag:s1] =	ssyncset.done $0x0  }
0x16a: {  	[sflag:s1] =	ssyncadd.s32 $0xFFFFC000  }
0x16b: {  	_ =	swait.ge [sflag:s28], $0x4000  }
0x16c: {  	[sflag:s28] =	ssyncset.done $0x0  }
0x16d: {  	s16 =	simm.s32 $0x40;
	[sflag:s28] =	ssyncadd.s32 $0xFFFFC000  }
0x16e: {  	v0 =	vld [tilespmem:s16+$0xFFFFFFC0]  }
0x16f: {  	v1 =	vld [tilespmem:s16+$0x10]  }
0x170: {  	v3 =	vld [tilespmem:s16+$0xFFFFFFE0]  }
0x171: {  	v2 =	vld [tilespmem:s16+$0x0];
	_ =	sdelay $0x1  }
0x172: {  	v6 =	vld [tilespmem:s16+$0x20]  }
0x173: {  	v7 =	vld [tilespmem:s16+$0xFFFFFFF0];
	v4 =	vshll.u32 v0, $0x2;
	v0 =	vand.u32 $0x7F, v0;
	v5 =	vshll.u32 v1, $0x2  }
0x174: {  	v1 =	vand.u32 $0x7F, v1;
	v9 =	vshll.u32 v3, $0x2;
	v4 =	vand.u32 $0xFFFFFE00, v4  }
0x175: {  	v8 =	vld [tilespmem:s16+$0xFFFFFFD0];
	v3 =	vand.u32 $0x7F, v3;
	v4 =	vor.u32 v0, v4;
	v0 =	vshll.u32 v2, $0x2  }
0x176: {  	v5 =	vand.u32 $0xFFFFFE00, v5;
	v2 =	vand.u32 $0x7F, v2;
	v0 =	vand.u32 $0xFFFFFE00, v0  }
0x177: {  	v5 =	vor.u32 v1, v5;
	v0 =	vor.u32 v2, v0;
	v2 =	vand.u32 $0xFFFFFE00, v9;
	v9 =	vld [tilespmem:s16+$0x30]  }
0x178: {  	v11 =	vand.u32 $0x7F, v7;
	v2 =	vor.u32 v3, v2;
	v3 =	vshll.u32 v6, $0x2  }
0x179: {  	v1 =	vand.u32 $0x7F, v6;
	v12 =	vor.u32 $0x80, v4;
	v3 =	vand.u32 $0xFFFFFE00, v3  }
0x17a: {  	v6 =	vshll.u32 v7, $0x2;
	v10 =	vld.idx.msk [tilespmem:v4+s23+$0x0], $0xffff;
	v1 =	vor.u32 v1, v3;
	v3 =	vshll.u32 v8, $0x2  }
0x17b: {  	v6 =	vand.u32 $0xFFFFFE00, v6;
	v8 =	vand.u32 $0x7F, v8;
	v3 =	vand.u32 $0xFFFFFE00, v3  }
0x17c: {  	v6 =	vor.u32 v11, v6;
	v17 =	vld.idx.msk [tilespmem:v5+s23+$0x0], $0xffff;
	v7 =	vor.u32 v8, v3;
	v3 =	vshll.u32 v9, $0x2  }
0x17d: {  	v13 =	vld.idx.msk [tilespmem:v0+s23+$0x0], $0xffff;
	v8 =	vand.u32 $0x7F, v9;
	v3 =	vand.u32 $0xFFFFFE00, v3  }
0x17e: {  	s9 =	simm.s32 $0x15100;
	v11 =	vld.idx.msk [tilespmem:v2+s23+$0x0], $0xffff;
	v3 =	vor.u32 v8, v3  }
0x17f: {  	v20 =	vor.u32 $0x80, v0;
	[tilespmem:s9+$0xFFFFFF00] =	vst v10;
	v10 =	vld.idx.msk [tilespmem:v1+s23+$0x0], $0xffff  }
0x180: {  	v18 =	vld.idx.msk [tilespmem:v12+s23+$0x0], $0xffff;
	v12 =	vor.u32 $0x80, v5  }
0x181: {  	v15 =	vor.u32 $0x80, v2;
	v16 =	vld.idx.msk [tilespmem:v6+s23+$0x0], $0xffff  }
0x182: {  	s10 =	simm.s32 $0x0;
	s11 =	simm.s32 $0xC0;
	s16 =	simm.s32 $0x15100;
	v9 =	vor.u32 $0x80, v1;
	v14 =	vor.u32 $0x80, v7;
	v8 =	vor.u32 $0x80, v3;
	v19 =	vld.idx.msk [tilespmem:v7+s23+$0x0], $0xffff  }
.LBB2_13:
0x183: {  	s10 =	sadd.s32 $0x8, s10;
	[tilespmem:s9+$0xFFFFFF40] =	vst v13;
	v13 =	vld.idx.msk [tilespmem:v3+s23+$0x0], $0xffff;
	s16 =	sadd.s32 $0x200, s16  }
0x184: {  	p1 =	slt.u32 s10, $0xF8;
	v20 =	vld.idx.msk [tilespmem:v20+s23+$0x0], $0xffff;
	[tilespmem:s9+$0xFFFFFF50] =	vst v17  }
0x185: {  	v17 =	vor.u32 $0x100, v4;
	v12 =	vld.idx.msk [tilespmem:v12+s23+$0x0], $0xffff  }
0x186: {  	v21 =	vld [tilespmem:s11+$0x10];
	[tilespmem:s9+$0xFFFFFF80] =	vst v18  }
0x187: {  	v18 =	vld [tilespmem:s11+$0xFFFFFFE0];
	[tilespmem:s9+$0xFFFFFF10] =	vst v19;
	v19 =	vor.u32 $0x80, v6  }
0x188: {  	v14 =	vld.idx.msk [tilespmem:v14+s23+$0x0], $0xffff;
	[tilespmem:s9+$0xFFFFFF20] =	vst v11  }
0x189: {  	v11 =	vld.idx.msk [tilespmem:v15+s23+$0x0], $0xffff;
	[tilespmem:s9+$0xFFFFFF70] =	vst v13  }
0x18a: {  	v13 =	vld.idx.msk [tilespmem:v17+s23+$0x0], $0xffff;
	[tilespmem:s9+$0xFFFFFFC0] =	vst v20  }
0x18b: {  	v15 =	vld [tilespmem:s11+$0xFFFFFFF0];
	[tilespmem:s9+$0xFFFFFF30] =	vst v16  }
0x18c: {  	v16 =	vld.idx.msk [tilespmem:v19+s23+$0x0], $0xffff;
	[tilespmem:s9+$0xFFFFFFD0] =	vst v12  }
0x18d: {  	v12 =	vld [tilespmem:s11+$0xFFFFFFC0];
	[tilespmem:s9+$0xFFFFFF60] =	vst v10  }
0x18e: {  	[tilespmem:s9+$0xFFFFFF90] =	vst v14;
	v8 =	vld.idx.msk [tilespmem:v8+s23+$0x0], $0xffff  }
0x18f: {  	v10 =	vld [tilespmem:s11+$0x20];
	[tilespmem:s9+$0xFFFFFFA0] =	vst v11;
	v11 =	vor.u32 $0x100, v5  }
0x190: {  	v14 =	vld [tilespmem:s11+$0x30];
	[tilespmem:s9+$0x0] =	vst v13;
	v13 =	vor.u32 $0x100, v7  }
0x191: {  	v19 =	vor.u32 $0x100, v6;
	v17 =	vld [tilespmem:s11+$0xFFFFFFD0]  }
0x192: {  	v20 =	vor.u32 $0x180, v4;
	[tilespmem:s9+$0xFFFFFFB0] =	vst v16;
	v9 =	vld.idx.msk [tilespmem:v9+s23+$0x0], $0xffff  }
0x193: {  	v22 =	vor.u32 $0x100, v2;
	v23 =	vor.u32 $0x180, v5;
	v5 =	vor.u32 $0x100, v1;
	v16 =	vld [tilespmem:s11+$0x0]  }
0x194: {  	v24 =	vor.u32 $0x100, v0;
	v4 =	vshll.u32 v12, $0x2;
	v11 =	vld.idx.msk [tilespmem:v11+s23+$0x0], $0xffff;
	[tilespmem:s9+$0xFFFFFFF0] =	vst v8;
	v8 =	vor.u32 $0x100, v3  }
0x195: {  	v4 =	vand.u32 $0xFFFFFE00, v4;
	v25 =	vand.u32 $0x7F, v14;
	v14 =	vshll.u32 v14, $0x2;
	v13 =	vld.idx.msk [tilespmem:v13+s23+$0x0], $0xffff  }
0x196: {  	v6 =	vor.u32 $0x180, v6;
	v12 =	vand.u32 $0x7F, v12;
	v14 =	vand.u32 $0xFFFFFE00, v14;
	v19 =	vld.idx.msk [tilespmem:v19+s23+$0x0], $0xffff  }
0x197: {  	v7 =	vor.u32 $0x180, v7;
	v4 =	vor.u32 v12, v4;
	v12 =	vshll.u32 v21, $0x2;
	v20 =	vld.idx.msk [tilespmem:v20+s23+$0x0], $0xffff  }
0x198: {  	v26 =	vshll.u32 v15, $0x2;
	v14 =	vor.u32 v25, v14;
	v27 =	vshll.u32 v16, $0x2;
	v22 =	vld.idx.msk [tilespmem:v22+s23+$0x0], $0xffff;
	[tilespmem:s9+$0xFFFFFFE0] =	vst v9  }
0x199: {  	v21 =	vand.u32 $0x7F, v21;
	v9 =	vand.u32 $0xFFFFFE00, v26;
	v16 =	vand.u32 $0x7F, v16;
	v25 =	vld.idx.msk [tilespmem:v5+s23+$0x0], $0xffff  }
0x19a: {  	v12 =	vand.u32 $0xFFFFFE00, v12;
	v26 =	vor.u32 $0x180, v2;
	v5 =	vand.u32 $0xFFFFFE00, v27;
	[tilespmem:s9+$0x50] =	vst v11;
	v8 =	vld.idx.msk [tilespmem:v8+s23+$0x0], $0xffff  }
0x19b: {  	v2 =	vshll.u32 v18, $0x2;
	v11 =	vor.u32 v16, v5;
	v5 =	vor.u32 v21, v12;
	[tilespmem:s9+$0x10] =	vst v13;
	v12 =	vld.idx.msk [tilespmem:v24+s23+$0x0], $0xffff  }
0x19c: {  	v2 =	vand.u32 $0xFFFFFE00, v2;
	v13 =	vor.u32 $0x180, v3;
	v3 =	vmov v14;
	v7 =	vld.idx.msk [tilespmem:v7+s23+$0x0], $0xffff;
	[tilespmem:s9+$0x30] =	vst v19  }
0x19d: {  	v14 =	vand.u32 $0x7F, v18;
	v18 =	vor.u32 $0x180, v0;
	v0 =	vmovc v11;
	v19 =	vor.u32 $0x180, v1;
	[tilespmem:s9+$0x80] =	vst v20;
	v16 =	vld.idx.msk [tilespmem:v6+s23+$0x0], $0xffff  }
0x19e: {  	v21 =	vor.u32 $0x80, v4;
	v2 =	vor.u32 v14, v2;
	v1 =	vand.u32 $0x7F, v15;
	[tilespmem:s9+$0x20] =	vst v22;
	v11 =	vld.idx.msk [tilespmem:v23+s23+$0x0], $0xffff  }
0x19f: {  	v6 =	vor.u32 v1, v9;
	v1 =	vshll.u32 v10, $0x2;
	v9 =	vld.idx.msk [tilespmem:v26+s23+$0x0], $0xffff;
	[tilespmem:s9+$0x60] =	vst v25  }
0x1a0: {  	v10 =	vand.u32 $0x7F, v10;
	v1 =	vand.u32 $0xFFFFFE00, v1;
	v15 =	vld.idx.msk [tilespmem:v4+s23+$0x0], $0xffff;
	[tilespmem:s9+$0x70] =	vst v8  }
0x1a1: {  	v1 =	vor.u32 v10, v1;
	[tilespmem:s9+$0x40] =	vst v12;
	v22 =	vld.idx.msk [tilespmem:v13+s23+$0x0], $0xffff  }
0x1a2: {  	v8 =	vshll.u32 v17, $0x2;
	v12 =	vor.u32 $0x80, v5;
	v13 =	vld.idx.msk [tilespmem:v0+s23+$0x0], $0xffff;
	[tilespmem:s9+$0x90] =	vst v7  }
0x1a3: {  	v10 =	vand.u32 $0xFFFFFE00, v8;
	v8 =	vor.u32 $0x80, v3;
	v7 =	vand.u32 $0x7F, v17;
	[tilespmem:s9+$0xB0] =	vst v16;
	v16 =	vld.idx.msk [tilespmem:v18+s23+$0x0], $0xffff  }
0x1a4: {  	v7 =	vor.u32 v7, v10;
	[tilespmem:s9+$0xD0] =	vst v11;
	v23 =	vld.idx.msk [tilespmem:v19+s23+$0x0], $0xffff  }
0x1a5: {  	v14 =	vor.u32 $0x80, v7;
	v11 =	vld.idx.msk [tilespmem:v2+s23+$0x0], $0xffff  }
.Ltmp8:
0x1a6: {  	[tilespmem:s16+$0xFFFFFF00] =	vst v15;
	v15 =	vor.u32 $0x80, v2;
	v17 =	vld.idx.msk [tilespmem:v5+s23+$0x0], $0xffff;
	(pc) =	sbr.rel @p1 .LBB2_13-.Ltmp8, $4  }
0x1a7: {  	v20 =	vor.u32 $0x80, v0;
	v10 =	vld.idx.msk [tilespmem:v1+s23+$0x0], $0xffff;
	[tilespmem:s9+$0xF0] =	vst v22  }
0x1a8: {  	v18 =	vld.idx.msk [tilespmem:v21+s23+$0x0], $0xffff;
	[tilespmem:s9+$0xA0] =	vst v9  }
0x1a9: {  	v19 =	vld.idx.msk [tilespmem:v7+s23+$0x0], $0xffff;
	[tilespmem:s9+$0xC0] =	vst v16  }
0x1aa: {  	s11 =	sadd.s32 $0x80, s11;
	v9 =	vor.u32 $0x80, v1;
	v16 =	vld.idx.msk [tilespmem:v6+s23+$0x0], $0xffff;
	[tilespmem:s9+$0xE0] =	vst v23;
	s9 =	smov.u32 s16  }
0x1ab: {  	_ =	sdelay $0x1  }
0x1ac: {  	[tilespmem:s9+$0xFFFFFF40] =	vst v13  }
0x1ad: {  	[tilespmem:s9+$0xFFFFFF50] =	vst v17  }
0x1ae: {  	v34 =	vld.idx.msk [tilespmem:v3+s23+$0x0], $0xffff;
	[tilespmem:s9+$0xFFFFFF20] =	vst v11  }
0x1af: {  	v36 =	vor.u32 $0x80, v6;
	v35 =	vld.idx.msk [tilespmem:v20+s23+$0x0], $0xffff;
	[tilespmem:s9+$0xFFFFFF60] =	vst v10  }
0x1b0: {  	v37 =	vor.u32 $0x100, v4;
	v12 =	vld.idx.msk [tilespmem:v12+s23+$0x0], $0xffff;
	[tilespmem:s9+$0xFFFFFF80] =	vst v18  }
0x1b1: {  	v39 =	vld.idx.msk [tilespmem:v15+s23+$0x0], $0xffff;
	[tilespmem:s9+$0xFFFFFF10] =	vst v19  }
0x1b2: {  	v40 =	vor.u32 $0x100, v5;
	v9 =	vld.idx.msk [tilespmem:v9+s23+$0x0], $0xffff;
	[tilespmem:s9+$0xFFFFFF30] =	vst v16  }
0x1b3: {  	v46 =	vor.u32 $0x100, v2;
	v38 =	vld.idx.msk [tilespmem:v14+s23+$0x0], $0xffff;
	[tilespmem:s9+$0xFFFFFF70] =	vst v34  }
0x1b4: {  	v51 =	vor.u32 $0x100, v0;
	v41 =	vld.idx.msk [tilespmem:v36+s23+$0x0], $0xffff;
	[tilespmem:s9+$0xFFFFFFC0] =	vst v35  }
0x1b5: {  	v49 =	vor.u32 $0x100, v1;
	v43 =	vld.idx.msk [tilespmem:v37+s23+$0x0], $0xffff;
	[tilespmem:s9+$0xFFFFFFD0] =	vst v12  }
0x1b6: {  	v42 =	vor.u32 $0x100, v7;
	v8 =	vld.idx.msk [tilespmem:v8+s23+$0x0], $0xffff;
	[tilespmem:s9+$0xFFFFFFA0] =	vst v39  }
0x1b7: {  	v44 =	vor.u32 $0x100, v6;
	v47 =	vld.idx.msk [tilespmem:v40+s23+$0x0], $0xffff;
	[tilespmem:s9+$0xFFFFFFE0] =	vst v9  }
0x1b8: {  	v45 =	vor.u32 $0x180, v4;
	v54 =	vld.idx.msk [tilespmem:v46+s23+$0x0], $0xffff;
	[tilespmem:s9+$0xFFFFFF90] =	vst v38  }
0x1b9: {  	v48 =	vor.u32 $0x100, v3;
	v60 =	vld.idx.msk [tilespmem:v51+s23+$0x0], $0xffff;
	[tilespmem:s9+$0xFFFFFFB0] =	vst v41  }
0x1ba: {  	v55 =	vor.u32 $0x180, v5;
	v57 =	vld.idx.msk [tilespmem:v49+s23+$0x0], $0xffff;
	[tilespmem:s9+$0x0] =	vst v43  }
0x1bb: {  	v59 =	vor.u32 $0x180, v2;
	v50 =	vld.idx.msk [tilespmem:v42+s23+$0x0], $0xffff;
	[tilespmem:s9+$0xFFFFFFF0] =	vst v8  }
0x1bc: {  	v61 =	vor.u32 $0x180, v0;
	v12 =	vld.idx.msk [tilespmem:v44+s23+$0x0], $0xffff;
	[tilespmem:s9+$0x50] =	vst v47  }
0x1bd: {  	v63 =	vor.u32 $0x180, v1;
	v4 =	vld.idx.msk [tilespmem:v45+s23+$0x0], $0xffff;
	[tilespmem:s9+$0x20] =	vst v54  }
0x1be: {  	v52 =	vor.u32 $0x180, v7;
	v56 =	vld.idx.msk [tilespmem:v48+s23+$0x0], $0xffff;
	[tilespmem:s9+$0x40] =	vst v60  }
0x1bf: {  	v53 =	vor.u32 $0x180, v6;
	v5 =	vld.idx.msk [tilespmem:v55+s23+$0x0], $0xffff;
	[tilespmem:s9+$0x60] =	vst v57  }
0x1c0: {  	v58 =	vor.u32 $0x180, v3;
	v2 =	vld.idx.msk [tilespmem:v59+s23+$0x0], $0xffff;
	[tilespmem:s9+$0x10] =	vst v50  }
0x1c1: {  	v0 =	vld.idx.msk [tilespmem:v61+s23+$0x0], $0xffff;
	[tilespmem:s9+$0x30] =	vst v12  }
0x1c2: {  	v1 =	vld.idx.msk [tilespmem:v63+s23+$0x0], $0xffff;
	[tilespmem:s9+$0x80] =	vst v4  }
0x1c3: {  	v7 =	vld.idx.msk [tilespmem:v52+s23+$0x0], $0xffff;
	[tilespmem:s9+$0x70] =	vst v56  }
0x1c4: {  	v62 =	vld.idx.msk [tilespmem:v53+s23+$0x0], $0xffff;
	[tilespmem:s9+$0xD0] =	vst v5  }
0x1c5: {  	v3 =	vld.idx.msk [tilespmem:v58+s23+$0x0], $0xffff;
	[tilespmem:s9+$0xA0] =	vst v2  }
0x1c6: {  	[tilespmem:s9+$0xC0] =	vst v0  }
.Ltmp9:
0x1c7: {  	[tilespmem:s9+$0xE0] =	vst v1;
	(pc) =	sbr.rel @p0 .LBB2_16-.Ltmp9, $4  }
0x1c8: {  	[tilespmem:s9+$0x90] =	vst v7  }
0x1c9: {  	[tilespmem:s9+$0xB0] =	vst v62  }
0x1ca: {  	s7 =	sadd.s32 s7, s14;
	[tilespmem:s9+$0xF0] =	vst v3  }
0x1cb: {  	[hbm4b:s7+s18] =	stream.strided.scatter [tilespmem:s29], [sflag:$0x6], $0x4000, s19, s18, $0x38;
	[tilespmem:$0x19000] =	vst v63  }
.Ltmp10:
0x1cc: {  	(pc) =	sbr.rel .LBB2_2-.Ltmp10, $4  }
0x1cd: {  	s5 =	sadd.s32 s5, s15  }
0x1ce: {  	s5 =	sshrl.u32 s5, $0x3  }
0x1cf: {  	s3 =	sadd.s32 $0x1, s3;
	s5 =	sadd.s32 s5, s8  }
0x1d0: {  	[tilespmem:s23], [sflag:$0x4] =	stream.strided.gather [hbm4b:s5+s18], $0x4000, s19, s18, $0x38;
	[tilespmem:$0x19000] =	vst v63  }
.LBB2_17:
0x1d1: {  	_ =	sfence.sel $0x180000  }
0x1d2: {  	[bflag:$0x0] =	sbarrier.arrive $0xFFFF  }
0x1d3: {  	_ =	strace $0x90000047  }
0x1d4: {  	s0 =	stileid.u32;
	[bflag:$0x2] =	sbarrier.arrive $0xFFFF  }
0x1d5: {  	p0 =	sne.s32 s0, $0x0;
	s0 =	rddreg [dreg:$0x3]  }
0x1d6: {  	s0 =	sadd.s32 @!p0 $0x100000, s0  }
0x1d7: {  	[sflag:s0] =	ssyncadd.tile.s32 @!p0 $0x1;
	_ =	shalt  }
.Lfunc_end2:
_tile_overlayer_lowered:
.L_overlay_start_2:
0x1d8: {  	(tag) =	ssettag $0x2  }
0x1d9: {  	s0 =	rddreg [dreg:$0x0];
	s2 =	stileid.u32  }
0x1da: {  	s1 =	rddreg [dreg:$0x1];
	p0 =	sne.s32 s2, $0x0  }
0x1db: {  	s3 =	rddreg [dreg:$0x2];
	[bflag:$0x3] =	sbarrier.arrive $0xFFFF;
	s2 =	simm.s32 @!p0 $0x1C07  }
0x1dc: {  	[timem:s3], [sflag:s2] =	dma.local @!p0 [hbm:s0], s1  }
0x1dd: {  	s0 =	simm.s32 @!p0 $0x7  }
0x1de: {  	_ =	swait.ge @!p0 [sflag:s0], s1  }
0x1df: {  	s1 =	ssub.s32 @!p0 $0x0, s1;
	[sflag:s0] =	ssyncset.done @!p0 $0x0  }
0x1e0: {  	[sflag:s0] =	ssyncadd.s32 @!p0 s1  }
0x1e1: {  	[bflag:$0x3] =	sbarrier.arrive $0xFFFF  }
0x1e2: {  	_ =	shalt  }

</sc_bundles>
